<compile_context>
chip_gen: v7x
topology: tpu7x:2x2x1
jax: 0.10.2.dev20260603
libtpu: 0.0.44.dev20260713+nightly
codegen_flags: <defaults>
</compile_context>

<pallas_src>
import functools

import jax
import jax.numpy as jnp
from jax import lax
from jax.experimental import pallas as pl
from jax.experimental.pallas import tpu as pltpu
from jax.experimental.pallas import tpu_sc as plsc

NC = 2
NS = 16
LANES = 16



def _tc_body(x_ref, wn_ref, bn_ref, wt_ref, wb_ref, ba1_ref, a_ref, b_ref):
    h = jnp.dot(x_ref[...], wn_ref[...], preferred_element_type=jnp.float32)
    h = h + bn_ref[...]
    a_ref[...] = jnp.dot(h, wt_ref[...], preferred_element_type=jnp.float32)
    b_ref[...] = (
        jnp.dot(h, wb_ref[...], preferred_element_type=jnp.float32) + ba1_ref[...]
    )


def _tc_stage(xp, wn, bn, wt, wb, ba1):
    n, dpad = xp.shape
    ch = wt.shape[1]
    blk = 1000
    grid = n // blk
    return pl.pallas_call(
        _tc_body,
        grid=(grid,),
        in_specs=[
            pl.BlockSpec((blk, dpad), lambda i: (i, 0)),
            pl.BlockSpec((dpad, ch), lambda i: (0, 0)),
            pl.BlockSpec((1, ch), lambda i: (0, 0)),
            pl.BlockSpec((ch, ch), lambda i: (0, 0)),
            pl.BlockSpec((ch, ch), lambda i: (0, 0)),
            pl.BlockSpec((1, ch), lambda i: (0, 0)),
        ],
        out_specs=[
            pl.BlockSpec((blk, ch), lambda i: (i, 0)),
            pl.BlockSpec((blk, ch), lambda i: (i, 0)),
        ],
        out_shape=[
            jax.ShapeDtypeStruct((n, ch), jnp.float32),
            jax.ShapeDtypeStruct((n, ch), jnp.float32),
        ],
    )(xp, wn, bn, wt, wb, ba1)



def _make_sc_stage(n_nodes, ch, e_edges):
    nw = NC * NS
    ew = e_edges // nw
    c_chunk = 80
    nchunk = ew // c_chunk
    assert ew * nw == e_edges and nchunk * c_chunk == ew

    mesh = plsc.VectorSubcoreMesh(
        core_axis_name="c", subcore_axis_name="s", num_cores=NC, num_subcores=NS
    )

    @functools.partial(
        pl.kernel,
        out_type=jax.ShapeDtypeStruct((e_edges,), jnp.float32),
        mesh=mesh,
        compiler_params=pltpu.CompilerParams(needs_layout_passes=False),
        scratch_types=[
            pltpu.VMEM((c_chunk,), jnp.int32),
            pltpu.VMEM((c_chunk,), jnp.int32),
            pltpu.VMEM((c_chunk, ch), jnp.float32),
            pltpu.VMEM((c_chunk, ch), jnp.float32),
            pltpu.VMEM((ch + LANES,), jnp.float32),
            pltpu.VMEM((c_chunk,), jnp.float32),
            pltpu.SemaphoreType.DMA,
            pltpu.SemaphoreType.DMA,
        ],
    )
    def sc_stage(a_hbm, b_hbm, src_hbm, dst_hbm, par_hbm, out_hbm,
                 src_v, dst_v, arow_v, brow_v, par_v, out_v, sem_a, sem_b):
        cid = lax.axis_index("c")
        sid = lax.axis_index("s")
        wid = sid * NC + cid
        base = wid * ew
        ngrp = c_chunk // LANES
        pltpu.sync_copy(par_hbm, par_v)
        ba2v = plsc.load_gather(par_v, [jnp.full((LANES,), ch, jnp.int32)])
        rows = [g * LANES + lax.iota(jnp.int32, LANES) for g in range(ngrp)]
        zero = jnp.zeros((LANES,), jnp.float32)

        def chunk_body(i, carry):
            off = base + i * c_chunk
            pltpu.sync_copy(src_hbm.at[pl.ds(off, c_chunk)], src_v)
            pltpu.sync_copy(dst_hbm.at[pl.ds(off, c_chunk)], dst_v)
            cp_a = pltpu.async_copy(a_hbm.at[src_v], arow_v, sem_a)
            cp_b = pltpu.async_copy(b_hbm.at[dst_v], brow_v, sem_b)
            cp_a.wait()
            cp_b.wait()

            def ch_body(c, accs):
                colc = jnp.full((LANES,), c, jnp.int32)
                wv = plsc.load_gather(par_v, [colc])
                out = []
                for g in range(ngrp):
                    av = plsc.load_gather(arow_v, [rows[g], colc])
                    bv = plsc.load_gather(brow_v, [rows[g], colc])
                    z = av + bv
                    z = jnp.maximum(z, z * jnp.float32(0.01))
                    out.append(accs[g] + z * wv)
                return tuple(out)

            accs = lax.fori_loop(0, ch, ch_body, (zero,) * ngrp, unroll=4)
            for g in range(ngrp):
                out_v[pl.ds(g * LANES, LANES)] = accs[g] + ba2v
            pltpu.sync_copy(out_v, out_hbm.at[pl.ds(off, c_chunk)])
            return carry

        lax.fori_loop(0, nchunk, chunk_body, 0)

    return sc_stage


def kernel(x, edge_attr, edge_index, W_node, b_node, W_edge, b_edge,
           Wa1, ba1, Wa2, ba2):
    n, d_node = x.shape
    ch = W_node.shape[1]
    e_edges = edge_index.shape[1]
    dpad = ((d_node + 127) // 128) * 128

    xp = jnp.pad(x, ((0, 0), (0, dpad - d_node)))
    wn = jnp.pad(W_node, ((0, dpad - d_node), (0, 0)))
    a_tab, b_tab = _tc_stage(
        xp, wn, b_node.reshape(1, ch), Wa1[:ch], Wa1[ch:], ba1.reshape(1, ch)
    )

    params = jnp.concatenate(
        [Wa2.reshape(-1), ba2.reshape(-1), jnp.zeros((LANES - 1,), jnp.float32)]
    )
    sc_stage = _make_sc_stage(n, ch, e_edges)
    out = sc_stage(a_tab, b_tab, edge_index[0], edge_index[1], params)
    return out.reshape(e_edges, 1)

# --- scband reference (transcript-rebuilt; emitter-appended) ---
"""Pipeline reference for scband-gatv2-33784212750631 (READ-ONLY COPY).

The authoritative reference and input builder live on the scoring server;
editing this copy changes nothing except your own understanding.
"""

import jax, jax.numpy as jnp
import numpy as np

N = 10000
E = 640000
CH = 128
D_NODE = 118
D_EDGE = 22
LAYER_NUM = 2


def setup_inputs(seed: int = 0) -> dict:
    key = jax.random.key(seed)
    ks = jax.random.split(key, 12)
    x = jax.random.normal(ks[0], (N, D_NODE), dtype=jnp.float32)
    edge_index = jax.random.randint(ks[1], (2, E), 0, N, dtype=jnp.int32)
    edge_attr = jax.random.normal(ks[2], (E, D_EDGE), dtype=jnp.float32)
    W_node = jax.random.normal(ks[3], (D_NODE, CH), dtype=jnp.float32) * (1.0 / np.sqrt(D_NODE))
    b_node = jnp.zeros((CH,), dtype=jnp.float32)
    W_edge = jax.random.normal(ks[4], (D_EDGE, CH), dtype=jnp.float32) * (1.0 / np.sqrt(D_EDGE))
    b_edge = jnp.zeros((CH,), dtype=jnp.float32)
    Wa1 = jax.random.normal(ks[5], (2 * CH, CH), dtype=jnp.float32) * (1.0 / np.sqrt(2 * CH))
    ba1 = jnp.zeros((CH,), dtype=jnp.float32)
    Wa2 = jax.random.normal(ks[6], (CH, 1), dtype=jnp.float32) * (1.0 / np.sqrt(CH))
    ba2 = jnp.zeros((1,), dtype=jnp.float32)
    return {
        'x': x,
        'edge_attr': edge_attr,
        'edge_index': edge_index,
        'W_node': W_node,
        'b_node': b_node,
        'W_edge': W_edge,
        'b_edge': b_edge,
        'Wa1': Wa1,
        'ba1': ba1,
        'Wa2': Wa2,
        'ba2': ba2,
    }


def reference(x, edge_attr, edge_index, W_node, b_node, W_edge, b_edge, Wa1, ba1, Wa2, ba2):
    # graph.apply_nodes: hidden = node_map(hidden)
    h = x @ W_node + b_node
    # graph.apply_edges: edge hidden = edge_map(edge hidden)
    he = edge_attr @ W_edge + b_edge
    src = edge_index[0]
    dst = edge_index[1]
    e = None
    for _ in range(LAYER_NUM):
        # apply_edges: e = cat([src hidden, dst hidden], dim=-1)
        h_src = jnp.take(h, src, axis=0)
        h_dst = jnp.take(h, dst, axis=0)
        cat = jnp.concatenate([h_src, h_dst], axis=-1)
        # apply_edges: e = attn_map(e)  (Linear -> LeakyReLU -> Linear)
        e = jax.nn.leaky_relu(cat @ Wa1 + ba1, negative_slope=0.01)
        e = e @ Wa2 + ba2
    return e

if __name__ == "__main__":
    import jax
    _d = setup_inputs()
    print(jax.jit(kernel)(*tuple(_d.values())))

</pallas_src>

<mosaic_0001>
#map = affine_map<(d0, d1) -> (0, 0)>
#map1 = affine_map<(d0, d1) -> (0)>
module attributes {stable_mosaic.version = 14 : i64} {
  func.func @sc_stage(%arg0: i32, %arg1: i32, %arg2: memref<10000x128xf32, #tpu.memory_space<hbm>>, %arg3: memref<10000x128xf32, #tpu.memory_space<hbm>>, %arg4: memref<640000xi32, #tpu.memory_space<hbm>>, %arg5: memref<640000xi32, #tpu.memory_space<hbm>>, %arg6: memref<144xf32, #tpu.memory_space<hbm>>, %arg7: memref<640000xf32, #tpu.memory_space<hbm>>, %arg8: memref<80xi32, #tpu.memory_space<vmem>>, %arg9: memref<80xi32, #tpu.memory_space<vmem>>, %arg10: memref<80x128xf32, #tpu.memory_space<vmem>>, %arg11: memref<80x128xf32, #tpu.memory_space<vmem>>, %arg12: memref<144xf32, #tpu.memory_space<vmem>>, %arg13: memref<80xf32, #tpu.memory_space<vmem>>, %arg14: memref<!tpu.dma_semaphore, #tpu.memory_space<semaphore_mem>>, %arg15: memref<!tpu.dma_semaphore, #tpu.memory_space<semaphore_mem>>) attributes {dimension_semantics = [#tpu.dimension_semantics<core_parallel>, #tpu.dimension_semantics<subcore_parallel>], iteration_bounds = array<i64: 2, 16>, scalar_prefetch = 0 : i64, scratch_operands = 8 : i64, tpu.core_type = #tpu.core_type<sc_vector_subcore>, window_params = [{transform_indices = #map}, {transform_indices = #map}, {transform_indices = #map1}, {transform_indices = #map1}, {transform_indices = #map1}, {transform_indices = #map1}]} {
    %mul3A = arith.constant 2 : i32
    %mul3A_0 = arith.muli %arg1, %mul3A : i32
    %add3A = arith.addi %mul3A_0, %arg0 : i32
    %mul3A_1 = arith.constant 20000 : i32
    %mul3A_2 = arith.muli %add3A, %mul3A_1 : i32
    "tpu.region"() ({
      %run_scoped3A = tpu.sem_alloc : memref<!tpu.dma_semaphore, #tpu.memory_space<semaphore_mem>>
      tpu.enqueue_dma source(%arg6 : memref<144xf32, #tpu.memory_space<hbm>>) target(%arg12 : memref<144xf32, #tpu.memory_space<vmem>>) target_semaphore(%run_scoped3A : memref<!tpu.dma_semaphore, #tpu.memory_space<semaphore_mem>>)
      tpu.wait_dma2 semaphore(%run_scoped3A : memref<!tpu.dma_semaphore, #tpu.memory_space<semaphore_mem>>) src(%arg6 : memref<144xf32, #tpu.memory_space<hbm>>) dst(%arg12 : memref<144xf32, #tpu.memory_space<vmem>>)
      tpu.yield
    }) : () -> ()
    %broadcast_in_dim3A = arith.constant 128 : i32
    %broadcast_in_dim3A_3 = vector.broadcast %broadcast_in_dim3A : i32 to vector<16xi32>
    %gather3A = tpu.vector_load_idx %arg12[%broadcast_in_dim3A_3] : memref<144xf32, #tpu.memory_space<vmem>>[vector<16xi32>], vector<16xf32>,
    %iota3A = tpu.iota {dimensions = array<i32: 0>} : vector<16xi32>
    %add3A_4 = arith.constant 0 : i32
    %add3A_5 = vector.broadcast %add3A_4 : i32 to vector<16xi32>
    %add3A_6 = arith.addi %add3A_5, %iota3A : vector<16xi32>
    %iota3A_7 = tpu.iota {dimensions = array<i32: 0>} : vector<16xi32>
    %add3A_8 = arith.constant 16 : i32
    %add3A_9 = vector.broadcast %add3A_8 : i32 to vector<16xi32>
    %add3A_10 = arith.addi %add3A_9, %iota3A_7 : vector<16xi32>
    %iota3A_11 = tpu.iota {dimensions = array<i32: 0>} : vector<16xi32>
    %add3A_12 = arith.constant 32 : i32
    %add3A_13 = vector.broadcast %add3A_12 : i32 to vector<16xi32>
    %add3A_14 = arith.addi %add3A_13, %iota3A_11 : vector<16xi32>
    %iota3A_15 = tpu.iota {dimensions = array<i32: 0>} : vector<16xi32>
    %add3A_16 = arith.constant 48 : i32
    %add3A_17 = vector.broadcast %add3A_16 : i32 to vector<16xi32>
    %add3A_18 = arith.addi %add3A_17, %iota3A_15 : vector<16xi32>
    %iota3A_19 = tpu.iota {dimensions = array<i32: 0>} : vector<16xi32>
    %add3A_20 = arith.constant 64 : i32
    %add3A_21 = vector.broadcast %add3A_20 : i32 to vector<16xi32>
    %add3A_22 = arith.addi %add3A_21, %iota3A_19 : vector<16xi32>
    %broadcast_in_dim3A_23 = arith.constant 0.000000e+00 : f32
    %broadcast_in_dim3A_24 = vector.broadcast %broadcast_in_dim3A_23 : f32 to vector<16xf32>
    %scan3A = arith.constant 0 : i32
    %scan3A_25 = arith.constant 0 : i32
    %scan3A_26 = arith.constant 250 : i32
    %scan3A_27 = arith.addi %scan3A_25, %scan3A_26 : i32
    %scan3A_28 = arith.constant 1 : i32
    scf.for %scan3A_30 = %scan3A_25 to %scan3A_27 step %scan3A_28  : i32 {
      %mul3A_31 = arith.constant 80 : i32
      %mul3A_32 = arith.muli %scan3A_30, %mul3A_31 : i32
      %add3A_33 = arith.addi %mul3A_2, %mul3A_32 : i32
      "tpu.region"() ({
        %run_scoped3A = tpu.sem_alloc : memref<!tpu.dma_semaphore, #tpu.memory_space<semaphore_mem>>
        %dma_start3A_64 = tpu.memref_slice %arg4[%add3A_33] : memref<640000xi32, #tpu.memory_space<hbm>> -> memref<80xi32, #tpu.memory_space<hbm>>
        %dma_start3A_65 = tpu.memref_slice %arg4[%add3A_33] : memref<640000xi32, #tpu.memory_space<hbm>> -> memref<80xi32, #tpu.memory_space<hbm>>
        tpu.enqueue_dma source(%dma_start3A_65 : memref<80xi32, #tpu.memory_space<hbm>>) target(%arg8 : memref<80xi32, #tpu.memory_space<vmem>>) target_semaphore(%run_scoped3A : memref<!tpu.dma_semaphore, #tpu.memory_space<semaphore_mem>>)
        %dma_wait3A_66 = tpu.memref_slice %arg4[%add3A_33] : memref<640000xi32, #tpu.memory_space<hbm>> -> memref<80xi32, #tpu.memory_space<hbm>>
        %dma_wait3A_67 = tpu.memref_slice %arg4[%add3A_33] : memref<640000xi32, #tpu.memory_space<hbm>> -> memref<80xi32, #tpu.memory_space<hbm>>
        tpu.wait_dma2 semaphore(%run_scoped3A : memref<!tpu.dma_semaphore, #tpu.memory_space<semaphore_mem>>) src(%dma_wait3A_67 : memref<80xi32, #tpu.memory_space<hbm>>) dst(%arg8 : memref<80xi32, #tpu.memory_space<vmem>>)
        tpu.yield
      }) : () -> ()
      "tpu.region"() ({
        %run_scoped3A = tpu.sem_alloc : memref<!tpu.dma_semaphore, #tpu.memory_space<semaphore_mem>>
        %dma_start3A_64 = tpu.memref_slice %arg5[%add3A_33] : memref<640000xi32, #tpu.memory_space<hbm>> -> memref<80xi32, #tpu.memory_space<hbm>>
        %dma_start3A_65 = tpu.memref_slice %arg5[%add3A_33] : memref<640000xi32, #tpu.memory_space<hbm>> -> memref<80xi32, #tpu.memory_space<hbm>>
        tpu.enqueue_dma source(%dma_start3A_65 : memref<80xi32, #tpu.memory_space<hbm>>) target(%arg9 : memref<80xi32, #tpu.memory_space<vmem>>) target_semaphore(%run_scoped3A : memref<!tpu.dma_semaphore, #tpu.memory_space<semaphore_mem>>)
        %dma_wait3A_66 = tpu.memref_slice %arg5[%add3A_33] : memref<640000xi32, #tpu.memory_space<hbm>> -> memref<80xi32, #tpu.memory_space<hbm>>
        %dma_wait3A_67 = tpu.memref_slice %arg5[%add3A_33] : memref<640000xi32, #tpu.memory_space<hbm>> -> memref<80xi32, #tpu.memory_space<hbm>>
        tpu.wait_dma2 semaphore(%run_scoped3A : memref<!tpu.dma_semaphore, #tpu.memory_space<semaphore_mem>>) src(%dma_wait3A_67 : memref<80xi32, #tpu.memory_space<hbm>>) dst(%arg9 : memref<80xi32, #tpu.memory_space<vmem>>)
        tpu.yield
      }) : () -> ()
      %dma_start3A = arith.constant 0 : i32
      %dma_start3A_34 = arith.constant 0 : i32
      %dma_start3A_35 = tpu.memref_slice %arg2[%dma_start3A, %dma_start3A_34] : memref<10000x128xf32, #tpu.memory_space<hbm>> -> memref<10000x128xf32, #tpu.memory_space<hbm>>
      tpu.enqueue_indirect_dma source(%dma_start3A_35 : memref<10000x128xf32, #tpu.memory_space<hbm>>) target(%arg10 : memref<80x128xf32, #tpu.memory_space<vmem>>) offsets(%arg8 : memref<80xi32, #tpu.memory_space<vmem>>) semaphore(%arg14 : memref<!tpu.dma_semaphore, #tpu.memory_space<semaphore_mem>>)
      %dma_start3A_36 = arith.constant 0 : i32
      %dma_start3A_37 = arith.constant 0 : i32
      %dma_start3A_38 = tpu.memref_slice %arg3[%dma_start3A_36, %dma_start3A_37] : memref<10000x128xf32, #tpu.memory_space<hbm>> -> memref<10000x128xf32, #tpu.memory_space<hbm>>
      tpu.enqueue_indirect_dma source(%dma_start3A_38 : memref<10000x128xf32, #tpu.memory_space<hbm>>) target(%arg11 : memref<80x128xf32, #tpu.memory_space<vmem>>) offsets(%arg9 : memref<80xi32, #tpu.memory_space<vmem>>) semaphore(%arg15 : memref<!tpu.dma_semaphore, #tpu.memory_space<semaphore_mem>>)
      %dma_wait3A = arith.constant 0 : i32
      %dma_wait3A_39 = arith.constant 0 : i32
      %dma_wait3A_40 = tpu.memref_slice %arg2[%dma_wait3A, %dma_wait3A_39] : memref<10000x128xf32, #tpu.memory_space<hbm>> -> memref<10000x128xf32, #tpu.memory_space<hbm>>
      tpu.wait_indirect_dma semaphore(%arg14 : memref<!tpu.dma_semaphore, #tpu.memory_space<semaphore_mem>>) src(%dma_wait3A_40 : memref<10000x128xf32, #tpu.memory_space<hbm>>) dst(%arg10 : memref<80x128xf32, #tpu.memory_space<vmem>>)
      %dma_wait3A_41 = arith.constant 0 : i32
      %dma_wait3A_42 = arith.constant 0 : i32
      %dma_wait3A_43 = tpu.memref_slice %arg3[%dma_wait3A_41, %dma_wait3A_42] : memref<10000x128xf32, #tpu.memory_space<hbm>> -> memref<10000x128xf32, #tpu.memory_space<hbm>>
      tpu.wait_indirect_dma semaphore(%arg15 : memref<!tpu.dma_semaphore, #tpu.memory_space<semaphore_mem>>) src(%dma_wait3A_43 : memref<10000x128xf32, #tpu.memory_space<hbm>>) dst(%arg11 : memref<80x128xf32, #tpu.memory_space<vmem>>)
      %scan3A_44 = arith.constant 0 : i32
      %scan3A_45 = arith.constant 128 : i32
      %scan3A_46 = arith.addi %scan3A_44, %scan3A_45 : i32
      %scan3A_47 = arith.constant 4 : i32
      %scan3A_48:5 = scf.for %scan3A_64 = %scan3A_44 to %scan3A_46 step %scan3A_47 iter_args(%scan3A_65 = %broadcast_in_dim3A_24, %scan3A_66 = %broadcast_in_dim3A_24, %scan3A_67 = %broadcast_in_dim3A_24, %scan3A_68 = %broadcast_in_dim3A_24, %scan3A_69 = %broadcast_in_dim3A_24) -> (vector<16xf32>, vector<16xf32>, vector<16xf32>, vector<16xf32>, vector<16xf32>)  : i32 {
        %broadcast_in_dim3A_70 = vector.broadcast %scan3A_64 : i32 to vector<16xi32>
        %gather3A_71 = tpu.vector_load_idx %arg12[%broadcast_in_dim3A_70] : memref<144xf32, #tpu.memory_space<vmem>>[vector<16xi32>], vector<16xf32>,
        %gather3A_72 = tpu.vector_load_idx %arg10[%add3A_6, %broadcast_in_dim3A_70] : memref<80x128xf32, #tpu.memory_space<vmem>>[vector<16xi32>, vector<16xi32>], vector<16xf32>,
        %gather3A_73 = tpu.vector_load_idx %arg11[%add3A_6, %broadcast_in_dim3A_70] : memref<80x128xf32, #tpu.memory_space<vmem>>[vector<16xi32>, vector<16xi32>], vector<16xf32>,
        %add3A_74 = arith.addf %gather3A_72, %gather3A_73 : vector<16xf32>
        %mul3A_75 = arith.constant 0.00999999977 : f32
        %mul3A_76 = vector.broadcast %mul3A_75 : f32 to vector<16xf32>
        %mul3A_77 = arith.mulf %add3A_74, %mul3A_76 : vector<16xf32>
        %max3A = arith.maximumf %add3A_74, %mul3A_77 : vector<16xf32>
        %mul3A_78 = arith.mulf %max3A, %gather3A_71 : vector<16xf32>
        %add3A_79 = arith.addf %scan3A_65, %mul3A_78 : vector<16xf32>
        %gather3A_80 = tpu.vector_load_idx %arg10[%add3A_10, %broadcast_in_dim3A_70] : memref<80x128xf32, #tpu.memory_space<vmem>>[vector<16xi32>, vector<16xi32>], vector<16xf32>,
        %gather3A_81 = tpu.vector_load_idx %arg11[%add3A_10, %broadcast_in_dim3A_70] : memref<80x128xf32, #tpu.memory_space<vmem>>[vector<16xi32>, vector<16xi32>], vector<16xf32>,
        %add3A_82 = arith.addf %gather3A_80, %gather3A_81 : vector<16xf32>
        %mul3A_83 = arith.constant 0.00999999977 : f32
        %mul3A_84 = vector.broadcast %mul3A_83 : f32 to vector<16xf32>
        %mul3A_85 = arith.mulf %add3A_82, %mul3A_84 : vector<16xf32>
        %max3A_86 = arith.maximumf %add3A_82, %mul3A_85 : vector<16xf32>
        %mul3A_87 = arith.mulf %max3A_86, %gather3A_71 : vector<16xf32>
        %add3A_88 = arith.addf %scan3A_66, %mul3A_87 : vector<16xf32>
        %gather3A_89 = tpu.vector_load_idx %arg10[%add3A_14, %broadcast_in_dim3A_70] : memref<80x128xf32, #tpu.memory_space<vmem>>[vector<16xi32>, vector<16xi32>], vector<16xf32>,
        %gather3A_90 = tpu.vector_load_idx %arg11[%add3A_14, %broadcast_in_dim3A_70] : memref<80x128xf32, #tpu.memory_space<vmem>>[vector<16xi32>, vector<16xi32>], vector<16xf32>,
        %add3A_91 = arith.addf %gather3A_89, %gather3A_90 : vector<16xf32>
        %mul3A_92 = arith.constant 0.00999999977 : f32
        %mul3A_93 = vector.broadcast %mul3A_92 : f32 to vector<16xf32>
        %mul3A_94 = arith.mulf %add3A_91, %mul3A_93 : vector<16xf32>
        %max3A_95 = arith.maximumf %add3A_91, %mul3A_94 : vector<16xf32>
        %mul3A_96 = arith.mulf %max3A_95, %gather3A_71 : vector<16xf32>
        %add3A_97 = arith.addf %scan3A_67, %mul3A_96 : vector<16xf32>
        %gather3A_98 = tpu.vector_load_idx %arg10[%add3A_18, %broadcast_in_dim3A_70] : memref<80x128xf32, #tpu.memory_space<vmem>>[vector<16xi32>, vector<16xi32>], vector<16xf32>,
        %gather3A_99 = tpu.vector_load_idx %arg11[%add3A_18, %broadcast_in_dim3A_70] : memref<80x128xf32, #tpu.memory_space<vmem>>[vector<16xi32>, vector<16xi32>], vector<16xf32>,
        %add3A_100 = arith.addf %gather3A_98, %gather3A_99 : vector<16xf32>
        %mul3A_101 = arith.constant 0.00999999977 : f32
        %mul3A_102 = vector.broadcast %mul3A_101 : f32 to vector<16xf32>
        %mul3A_103 = arith.mulf %add3A_100, %mul3A_102 : vector<16xf32>
        %max3A_104 = arith.maximumf %add3A_100, %mul3A_103 : vector<16xf32>
        %mul3A_105 = arith.mulf %max3A_104, %gather3A_71 : vector<16xf32>
        %add3A_106 = arith.addf %scan3A_68, %mul3A_105 : vector<16xf32>
        %gather3A_107 = tpu.vector_load_idx %arg10[%add3A_22, %broadcast_in_dim3A_70] : memref<80x128xf32, #tpu.memory_space<vmem>>[vector<16xi32>, vector<16xi32>], vector<16xf32>,
        %gather3A_108 = tpu.vector_load_idx %arg11[%add3A_22, %broadcast_in_dim3A_70] : memref<80x128xf32, #tpu.memory_space<vmem>>[vector<16xi32>, vector<16xi32>], vector<16xf32>,
        %add3A_109 = arith.addf %gather3A_107, %gather3A_108 : vector<16xf32>
        %mul3A_110 = arith.constant 0.00999999977 : f32
        %mul3A_111 = vector.broadcast %mul3A_110 : f32 to vector<16xf32>
        %mul3A_112 = arith.mulf %add3A_109, %mul3A_111 : vector<16xf32>
        %max3A_113 = arith.maximumf %add3A_109, %mul3A_112 : vector<16xf32>
        %mul3A_114 = arith.mulf %max3A_113, %gather3A_71 : vector<16xf32>
        %add3A_115 = arith.addf %scan3A_69, %mul3A_114 : vector<16xf32>
        %scan3A_116 = arith.constant 1 : i32
        %scan3A_117 = arith.addi %scan3A_64, %scan3A_116 : i32
        %broadcast_in_dim3A_118 = vector.broadcast %scan3A_117 : i32 to vector<16xi32>
        %gather3A_119 = tpu.vector_load_idx %arg12[%broadcast_in_dim3A_118] : memref<144xf32, #tpu.memory_space<vmem>>[vector<16xi32>], vector<16xf32>,
        %gather3A_120 = tpu.vector_load_idx %arg10[%add3A_6, %broadcast_in_dim3A_118] : memref<80x128xf32, #tpu.memory_space<vmem>>[vector<16xi32>, vector<16xi32>], vector<16xf32>,
        %gather3A_121 = tpu.vector_load_idx %arg11[%add3A_6, %broadcast_in_dim3A_118] : memref<80x128xf32, #tpu.memory_space<vmem>>[vector<16xi32>, vector<16xi32>], vector<16xf32>,
        %add3A_122 = arith.addf %gather3A_120, %gather3A_121 : vector<16xf32>
        %mul3A_123 = arith.constant 0.00999999977 : f32
        %mul3A_124 = vector.broadcast %mul3A_123 : f32 to vector<16xf32>
        %mul3A_125 = arith.mulf %add3A_122, %mul3A_124 : vector<16xf32>
        %max3A_126 = arith.maximumf %add3A_122, %mul3A_125 : vector<16xf32>
        %mul3A_127 = arith.mulf %max3A_126, %gather3A_119 : vector<16xf32>
        %add3A_128 = arith.addf %add3A_79, %mul3A_127 : vector<16xf32>
        %gather3A_129 = tpu.vector_load_idx %arg10[%add3A_10, %broadcast_in_dim3A_118] : memref<80x128xf32, #tpu.memory_space<vmem>>[vector<16xi32>, vector<16xi32>], vector<16xf32>,
        %gather3A_130 = tpu.vector_load_idx %arg11[%add3A_10, %broadcast_in_dim3A_118] : memref<80x128xf32, #tpu.memory_space<vmem>>[vector<16xi32>, vector<16xi32>], vector<16xf32>,
        %add3A_131 = arith.addf %gather3A_129, %gather3A_130 : vector<16xf32>
        %mul3A_132 = arith.constant 0.00999999977 : f32
        %mul3A_133 = vector.broadcast %mul3A_132 : f32 to vector<16xf32>
        %mul3A_134 = arith.mulf %add3A_131, %mul3A_133 : vector<16xf32>
        %max3A_135 = arith.maximumf %add3A_131, %mul3A_134 : vector<16xf32>
        %mul3A_136 = arith.mulf %max3A_135, %gather3A_119 : vector<16xf32>
        %add3A_137 = arith.addf %add3A_88, %mul3A_136 : vector<16xf32>
        %gather3A_138 = tpu.vector_load_idx %arg10[%add3A_14, %broadcast_in_dim3A_118] : memref<80x128xf32, #tpu.memory_space<vmem>>[vector<16xi32>, vector<16xi32>], vector<16xf32>,
        %gather3A_139 = tpu.vector_load_idx %arg11[%add3A_14, %broadcast_in_dim3A_118] : memref<80x128xf32, #tpu.memory_space<vmem>>[vector<16xi32>, vector<16xi32>], vector<16xf32>,
        %add3A_140 = arith.addf %gather3A_138, %gather3A_139 : vector<16xf32>
        %mul3A_141 = arith.constant 0.00999999977 : f32
        %mul3A_142 = vector.broadcast %mul3A_141 : f32 to vector<16xf32>
        %mul3A_143 = arith.mulf %add3A_140, %mul3A_142 : vector<16xf32>
        %max3A_144 = arith.maximumf %add3A_140, %mul3A_143 : vector<16xf32>
        %mul3A_145 = arith.mulf %max3A_144, %gather3A_119 : vector<16xf32>
        %add3A_146 = arith.addf %add3A_97, %mul3A_145 : vector<16xf32>
        %gather3A_147 = tpu.vector_load_idx %arg10[%add3A_18, %broadcast_in_dim3A_118] : memref<80x128xf32, #tpu.memory_space<vmem>>[vector<16xi32>, vector<16xi32>], vector<16xf32>,
        %gather3A_148 = tpu.vector_load_idx %arg11[%add3A_18, %broadcast_in_dim3A_118] : memref<80x128xf32, #tpu.memory_space<vmem>>[vector<16xi32>, vector<16xi32>], vector<16xf32>,
        %add3A_149 = arith.addf %gather3A_147, %gather3A_148 : vector<16xf32>
        %mul3A_150 = arith.constant 0.00999999977 : f32
        %mul3A_151 = vector.broadcast %mul3A_150 : f32 to vector<16xf32>
        %mul3A_152 = arith.mulf %add3A_149, %mul3A_151 : vector<16xf32>
        %max3A_153 = arith.maximumf %add3A_149, %mul3A_152 : vector<16xf32>
        %mul3A_154 = arith.mulf %max3A_153, %gather3A_119 : vector<16xf32>
        %add3A_155 = arith.addf %add3A_106, %mul3A_154 : vector<16xf32>
        %gather3A_156 = tpu.vector_load_idx %arg10[%add3A_22, %broadcast_in_dim3A_118] : memref<80x128xf32, #tpu.memory_space<vmem>>[vector<16xi32>, vector<16xi32>], vector<16xf32>,
        %gather3A_157 = tpu.vector_load_idx %arg11[%add3A_22, %broadcast_in_dim3A_118] : memref<80x128xf32, #tpu.memory_space<vmem>>[vector<16xi32>, vector<16xi32>], vector<16xf32>,
        %add3A_158 = arith.addf %gather3A_156, %gather3A_157 : vector<16xf32>
        %mul3A_159 = arith.constant 0.00999999977 : f32
        %mul3A_160 = vector.broadcast %mul3A_159 : f32 to vector<16xf32>
        %mul3A_161 = arith.mulf %add3A_158, %mul3A_160 : vector<16xf32>
        %max3A_162 = arith.maximumf %add3A_158, %mul3A_161 : vector<16xf32>
        %mul3A_163 = arith.mulf %max3A_162, %gather3A_119 : vector<16xf32>
        %add3A_164 = arith.addf %add3A_115, %mul3A_163 : vector<16xf32>
        %scan3A_165 = arith.constant 2 : i32
        %scan3A_166 = arith.addi %scan3A_64, %scan3A_165 : i32
        %broadcast_in_dim3A_167 = vector.broadcast %scan3A_166 : i32 to vector<16xi32>
        %gather3A_168 = tpu.vector_load_idx %arg12[%broadcast_in_dim3A_167] : memref<144xf32, #tpu.memory_space<vmem>>[vector<16xi32>], vector<16xf32>,
        %gather3A_169 = tpu.vector_load_idx %arg10[%add3A_6, %broadcast_in_dim3A_167] : memref<80x128xf32, #tpu.memory_space<vmem>>[vector<16xi32>, vector<16xi32>], vector<16xf32>,
        %gather3A_170 = tpu.vector_load_idx %arg11[%add3A_6, %broadcast_in_dim3A_167] : memref<80x128xf32, #tpu.memory_space<vmem>>[vector<16xi32>, vector<16xi32>], vector<16xf32>,
        %add3A_171 = arith.addf %gather3A_169, %gather3A_170 : vector<16xf32>
        %mul3A_172 = arith.constant 0.00999999977 : f32
        %mul3A_173 = vector.broadcast %mul3A_172 : f32 to vector<16xf32>
        %mul3A_174 = arith.mulf %add3A_171, %mul3A_173 : vector<16xf32>
        %max3A_175 = arith.maximumf %add3A_171, %mul3A_174 : vector<16xf32>
        %mul3A_176 = arith.mulf %max3A_175, %gather3A_168 : vector<16xf32>
        %add3A_177 = arith.addf %add3A_128, %mul3A_176 : vector<16xf32>
        %gather3A_178 = tpu.vector_load_idx %arg10[%add3A_10, %broadcast_in_dim3A_167] : memref<80x128xf32, #tpu.memory_space<vmem>>[vector<16xi32>, vector<16xi32>], vector<16xf32>,
        %gather3A_179 = tpu.vector_load_idx %arg11[%add3A_10, %broadcast_in_dim3A_167] : memref<80x128xf32, #tpu.memory_space<vmem>>[vector<16xi32>, vector<16xi32>], vector<16xf32>,
        %add3A_180 = arith.addf %gather3A_178, %gather3A_179 : vector<16xf32>
        %mul3A_181 = arith.constant 0.00999999977 : f32
        %mul3A_182 = vector.broadcast %mul3A_181 : f32 to vector<16xf32>
        %mul3A_183 = arith.mulf %add3A_180, %mul3A_182 : vector<16xf32>
        %max3A_184 = arith.maximumf %add3A_180, %mul3A_183 : vector<16xf32>
        %mul3A_185 = arith.mulf %max3A_184, %gather3A_168 : vector<16xf32>
        %add3A_186 = arith.addf %add3A_137, %mul3A_185 : vector<16xf32>
        %gather3A_187 = tpu.vector_load_idx %arg10[%add3A_14, %broadcast_in_dim3A_167] : memref<80x128xf32, #tpu.memory_space<vmem>>[vector<16xi32>, vector<16xi32>], vector<16xf32>,
        %gather3A_188 = tpu.vector_load_idx %arg11[%add3A_14, %broadcast_in_dim3A_167] : memref<80x128xf32, #tpu.memory_space<vmem>>[vector<16xi32>, vector<16xi32>], vector<16xf32>,
        %add3A_189 = arith.addf %gather3A_187, %gather3A_188 : vector<16xf32>
        %mul3A_190 = arith.constant 0.00999999977 : f32
        %mul3A_191 = vector.broadcast %mul3A_190 : f32 to vector<16xf32>
        %mul3A_192 = arith.mulf %add3A_189, %mul3A_191 : vector<16xf32>
        %max3A_193 = arith.maximumf %add3A_189, %mul3A_192 : vector<16xf32>
        %mul3A_194 = arith.mulf %max3A_193, %gather3A_168 : vector<16xf32>
        %add3A_195 = arith.addf %add3A_146, %mul3A_194 : vector<16xf32>
        %gather3A_196 = tpu.vector_load_idx %arg10[%add3A_18, %broadcast_in_dim3A_167] : memref<80x128xf32, #tpu.memory_space<vmem>>[vector<16xi32>, vector<16xi32>], vector<16xf32>,
        %gather3A_197 = tpu.vector_load_idx %arg11[%add3A_18, %broadcast_in_dim3A_167] : memref<80x128xf32, #tpu.memory_space<vmem>>[vector<16xi32>, vector<16xi32>], vector<16xf32>,
        %add3A_198 = arith.addf %gather3A_196, %gather3A_197 : vector<16xf32>
        %mul3A_199 = arith.constant 0.00999999977 : f32
        %mul3A_200 = vector.broadcast %mul3A_199 : f32 to vector<16xf32>
        %mul3A_201 = arith.mulf %add3A_198, %mul3A_200 : vector<16xf32>
        %max3A_202 = arith.maximumf %add3A_198, %mul3A_201 : vector<16xf32>
        %mul3A_203 = arith.mulf %max3A_202, %gather3A_168 : vector<16xf32>
        %add3A_204 = arith.addf %add3A_155, %mul3A_203 : vector<16xf32>
        %gather3A_205 = tpu.vector_load_idx %arg10[%add3A_22, %broadcast_in_dim3A_167] : memref<80x128xf32, #tpu.memory_space<vmem>>[vector<16xi32>, vector<16xi32>], vector<16xf32>,
        %gather3A_206 = tpu.vector_load_idx %arg11[%add3A_22, %broadcast_in_dim3A_167] : memref<80x128xf32, #tpu.memory_space<vmem>>[vector<16xi32>, vector<16xi32>], vector<16xf32>,
        %add3A_207 = arith.addf %gather3A_205, %gather3A_206 : vector<16xf32>
        %mul3A_208 = arith.constant 0.00999999977 : f32
        %mul3A_209 = vector.broadcast %mul3A_208 : f32 to vector<16xf32>
        %mul3A_210 = arith.mulf %add3A_207, %mul3A_209 : vector<16xf32>
        %max3A_211 = arith.maximumf %add3A_207, %mul3A_210 : vector<16xf32>
        %mul3A_212 = arith.mulf %max3A_211, %gather3A_168 : vector<16xf32>
        %add3A_213 = arith.addf %add3A_164, %mul3A_212 : vector<16xf32>
        %scan3A_214 = arith.constant 3 : i32
        %scan3A_215 = arith.addi %scan3A_64, %scan3A_214 : i32
        %broadcast_in_dim3A_216 = vector.broadcast %scan3A_215 : i32 to vector<16xi32>
        %gather3A_217 = tpu.vector_load_idx %arg12[%broadcast_in_dim3A_216] : memref<144xf32, #tpu.memory_space<vmem>>[vector<16xi32>], vector<16xf32>,
        %gather3A_218 = tpu.vector_load_idx %arg10[%add3A_6, %broadcast_in_dim3A_216] : memref<80x128xf32, #tpu.memory_space<vmem>>[vector<16xi32>, vector<16xi32>], vector<16xf32>,
        %gather3A_219 = tpu.vector_load_idx %arg11[%add3A_6, %broadcast_in_dim3A_216] : memref<80x128xf32, #tpu.memory_space<vmem>>[vector<16xi32>, vector<16xi32>], vector<16xf32>,
        %add3A_220 = arith.addf %gather3A_218, %gather3A_219 : vector<16xf32>
        %mul3A_221 = arith.constant 0.00999999977 : f32
        %mul3A_222 = vector.broadcast %mul3A_221 : f32 to vector<16xf32>
        %mul3A_223 = arith.mulf %add3A_220, %mul3A_222 : vector<16xf32>
        %max3A_224 = arith.maximumf %add3A_220, %mul3A_223 : vector<16xf32>
        %mul3A_225 = arith.mulf %max3A_224, %gather3A_217 : vector<16xf32>
        %add3A_226 = arith.addf %add3A_177, %mul3A_225 : vector<16xf32>
        %gather3A_227 = tpu.vector_load_idx %arg10[%add3A_10, %broadcast_in_dim3A_216] : memref<80x128xf32, #tpu.memory_space<vmem>>[vector<16xi32>, vector<16xi32>], vector<16xf32>,
        %gather3A_228 = tpu.vector_load_idx %arg11[%add3A_10, %broadcast_in_dim3A_216] : memref<80x128xf32, #tpu.memory_space<vmem>>[vector<16xi32>, vector<16xi32>], vector<16xf32>,
        %add3A_229 = arith.addf %gather3A_227, %gather3A_228 : vector<16xf32>
        %mul3A_230 = arith.constant 0.00999999977 : f32
        %mul3A_231 = vector.broadcast %mul3A_230 : f32 to vector<16xf32>
        %mul3A_232 = arith.mulf %add3A_229, %mul3A_231 : vector<16xf32>
        %max3A_233 = arith.maximumf %add3A_229, %mul3A_232 : vector<16xf32>
        %mul3A_234 = arith.mulf %max3A_233, %gather3A_217 : vector<16xf32>
        %add3A_235 = arith.addf %add3A_186, %mul3A_234 : vector<16xf32>
        %gather3A_236 = tpu.vector_load_idx %arg10[%add3A_14, %broadcast_in_dim3A_216] : memref<80x128xf32, #tpu.memory_space<vmem>>[vector<16xi32>, vector<16xi32>], vector<16xf32>,
        %gather3A_237 = tpu.vector_load_idx %arg11[%add3A_14, %broadcast_in_dim3A_216] : memref<80x128xf32, #tpu.memory_space<vmem>>[vector<16xi32>, vector<16xi32>], vector<16xf32>,
        %add3A_238 = arith.addf %gather3A_236, %gather3A_237 : vector<16xf32>
        %mul3A_239 = arith.constant 0.00999999977 : f32
        %mul3A_240 = vector.broadcast %mul3A_239 : f32 to vector<16xf32>
        %mul3A_241 = arith.mulf %add3A_238, %mul3A_240 : vector<16xf32>
        %max3A_242 = arith.maximumf %add3A_238, %mul3A_241 : vector<16xf32>
        %mul3A_243 = arith.mulf %max3A_242, %gather3A_217 : vector<16xf32>
        %add3A_244 = arith.addf %add3A_195, %mul3A_243 : vector<16xf32>
        %gather3A_245 = tpu.vector_load_idx %arg10[%add3A_18, %broadcast_in_dim3A_216] : memref<80x128xf32, #tpu.memory_space<vmem>>[vector<16xi32>, vector<16xi32>], vector<16xf32>,
        %gather3A_246 = tpu.vector_load_idx %arg11[%add3A_18, %broadcast_in_dim3A_216] : memref<80x128xf32, #tpu.memory_space<vmem>>[vector<16xi32>, vector<16xi32>], vector<16xf32>,
        %add3A_247 = arith.addf %gather3A_245, %gather3A_246 : vector<16xf32>
        %mul3A_248 = arith.constant 0.00999999977 : f32
        %mul3A_249 = vector.broadcast %mul3A_248 : f32 to vector<16xf32>
        %mul3A_250 = arith.mulf %add3A_247, %mul3A_249 : vector<16xf32>
        %max3A_251 = arith.maximumf %add3A_247, %mul3A_250 : vector<16xf32>
        %mul3A_252 = arith.mulf %max3A_251, %gather3A_217 : vector<16xf32>
        %add3A_253 = arith.addf %add3A_204, %mul3A_252 : vector<16xf32>
        %gather3A_254 = tpu.vector_load_idx %arg10[%add3A_22, %broadcast_in_dim3A_216] : memref<80x128xf32, #tpu.memory_space<vmem>>[vector<16xi32>, vector<16xi32>], vector<16xf32>,
        %gather3A_255 = tpu.vector_load_idx %arg11[%add3A_22, %broadcast_in_dim3A_216] : memref<80x128xf32, #tpu.memory_space<vmem>>[vector<16xi32>, vector<16xi32>], vector<16xf32>,
        %add3A_256 = arith.addf %gather3A_254, %gather3A_255 : vector<16xf32>
        %mul3A_257 = arith.constant 0.00999999977 : f32
        %mul3A_258 = vector.broadcast %mul3A_257 : f32 to vector<16xf32>
        %mul3A_259 = arith.mulf %add3A_256, %mul3A_258 : vector<16xf32>
        %max3A_260 = arith.maximumf %add3A_256, %mul3A_259 : vector<16xf32>
        %mul3A_261 = arith.mulf %max3A_260, %gather3A_217 : vector<16xf32>
        %add3A_262 = arith.addf %add3A_213, %mul3A_261 : vector<16xf32>
        scf.yield %add3A_226, %add3A_235, %add3A_244, %add3A_253, %add3A_262 : vector<16xf32>, vector<16xf32>, vector<16xf32>, vector<16xf32>, vector<16xf32>
      }
      %scan3A_49 = arith.constant 128 : i32
      %add3A_50 = arith.addf %scan3A_48#0, %gather3A : vector<16xf32>
      %swap3A = arith.constant 0 : index
      %swap3A_51 = tpu.vector_load %arg13[%swap3A] {strides = array<i32>} : memref<80xf32, #tpu.memory_space<vmem>>, vector<16xf32>,
      tpu.vector_store %arg13[%swap3A], %add3A_50 {strides = array<i32>} : memref<80xf32, #tpu.memory_space<vmem>>, vector<16xf32>,
      %add3A_52 = arith.addf %scan3A_48#1, %gather3A : vector<16xf32>
      %swap3A_53 = arith.constant 16 : index
      %swap3A_54 = tpu.vector_load %arg13[%swap3A_53] {strides = array<i32>} : memref<80xf32, #tpu.memory_space<vmem>>, vector<16xf32>,
      tpu.vector_store %arg13[%swap3A_53], %add3A_52 {strides = array<i32>} : memref<80xf32, #tpu.memory_space<vmem>>, vector<16xf32>,
      %add3A_55 = arith.addf %scan3A_48#2, %gather3A : vector<16xf32>
      %swap3A_56 = arith.constant 32 : index
      %swap3A_57 = tpu.vector_load %arg13[%swap3A_56] {strides = array<i32>} : memref<80xf32, #tpu.memory_space<vmem>>, vector<16xf32>,
      tpu.vector_store %arg13[%swap3A_56], %add3A_55 {strides = array<i32>} : memref<80xf32, #tpu.memory_space<vmem>>, vector<16xf32>,
      %add3A_58 = arith.addf %scan3A_48#3, %gather3A : vector<16xf32>
      %swap3A_59 = arith.constant 48 : index
      %swap3A_60 = tpu.vector_load %arg13[%swap3A_59] {strides = array<i32>} : memref<80xf32, #tpu.memory_space<vmem>>, vector<16xf32>,
      tpu.vector_store %arg13[%swap3A_59], %add3A_58 {strides = array<i32>} : memref<80xf32, #tpu.memory_space<vmem>>, vector<16xf32>,
      %add3A_61 = arith.addf %scan3A_48#4, %gather3A : vector<16xf32>
      %swap3A_62 = arith.constant 64 : index
      %swap3A_63 = tpu.vector_load %arg13[%swap3A_62] {strides = array<i32>} : memref<80xf32, #tpu.memory_space<vmem>>, vector<16xf32>,
      tpu.vector_store %arg13[%swap3A_62], %add3A_61 {strides = array<i32>} : memref<80xf32, #tpu.memory_space<vmem>>, vector<16xf32>,
      "tpu.region"() ({
        %run_scoped3A = tpu.sem_alloc : memref<!tpu.dma_semaphore, #tpu.memory_space<semaphore_mem>>
        %dma_start3A_64 = tpu.memref_slice %arg7[%add3A_33] : memref<640000xf32, #tpu.memory_space<hbm>> -> memref<80xf32, #tpu.memory_space<hbm>>
        %dma_start3A_65 = tpu.memref_slice %arg7[%add3A_33] : memref<640000xf32, #tpu.memory_space<hbm>> -> memref<80xf32, #tpu.memory_space<hbm>>
        tpu.enqueue_dma source(%arg13 : memref<80xf32, #tpu.memory_space<vmem>>) target(%dma_start3A_65 : memref<80xf32, #tpu.memory_space<hbm>>) target_semaphore(%run_scoped3A : memref<!tpu.dma_semaphore, #tpu.memory_space<semaphore_mem>>)
        %dma_wait3A_66 = tpu.memref_slice %arg7[%add3A_33] : memref<640000xf32, #tpu.memory_space<hbm>> -> memref<80xf32, #tpu.memory_space<hbm>>
        %dma_wait3A_67 = tpu.memref_slice %arg7[%add3A_33] : memref<640000xf32, #tpu.memory_space<hbm>> -> memref<80xf32, #tpu.memory_space<hbm>>
        tpu.wait_dma2 semaphore(%run_scoped3A : memref<!tpu.dma_semaphore, #tpu.memory_space<semaphore_mem>>) src(%arg13 : memref<80xf32, #tpu.memory_space<vmem>>) dst(%dma_wait3A_67 : memref<80xf32, #tpu.memory_space<hbm>>)
        tpu.yield
      }) : () -> ()
    }
    %scan3A_29 = arith.constant 250 : i32
    return
  }
}

module attributes {stable_mosaic.version = 14 : i64} {
  func.func @_tc_body(%arg0: i32, %arg1: memref<1000x128xf32, #tpu.memory_space<vmem>>, %arg2: memref<128x128xf32, #tpu.memory_space<vmem>>, %arg3: memref<1x128xf32, #tpu.memory_space<vmem>>, %arg4: memref<128x128xf32, #tpu.memory_space<vmem>>, %arg5: memref<128x128xf32, #tpu.memory_space<vmem>>, %arg6: memref<1x128xf32, #tpu.memory_space<vmem>>, %arg7: memref<1000x128xf32, #tpu.memory_space<vmem>>, %arg8: memref<1000x128xf32, #tpu.memory_space<vmem>>) attributes {dimension_semantics = [#tpu.dimension_semantics<arbitrary>], iteration_bounds = array<i64: 10>, scalar_prefetch = 0 : i64, scratch_operands = 0 : i64, tpu.core_type = #tpu.core_type<tc>, window_params = [{transform_indices = @transform_0, window_bounds = array<i64: 1000, 128>}, {pipeline_mode = #tpu.pipeline_mode<synchronous>, transform_indices = @transform_1, window_bounds = array<i64: 128, 128>}, {pipeline_mode = #tpu.pipeline_mode<synchronous>, transform_indices = @transform_2, window_bounds = array<i64: 1, 128>}, {pipeline_mode = #tpu.pipeline_mode<synchronous>, transform_indices = @transform_3, window_bounds = array<i64: 128, 128>}, {pipeline_mode = #tpu.pipeline_mode<synchronous>, transform_indices = @transform_4, window_bounds = array<i64: 128, 128>}, {pipeline_mode = #tpu.pipeline_mode<synchronous>, transform_indices = @transform_5, window_bounds = array<i64: 1, 128>}, {transform_indices = @transform_6, window_bounds = array<i64: 1000, 128>}, {transform_indices = @transform_7, window_bounds = array<i64: 1000, 128>}]} {
    %get3A = arith.constant 0 : index
    %get3A_0 = arith.constant 0 : index
    %get3A_1 = vector.load %arg1[%get3A, %get3A_0] : memref<1000x128xf32, #tpu.memory_space<vmem>>, vector<1000x128xf32>
    %get3A_2 = arith.constant 0 : index
    %get3A_3 = arith.constant 0 : index
    %get3A_4 = vector.load %arg2[%get3A_2, %get3A_3] : memref<128x128xf32, #tpu.memory_space<vmem>>, vector<128x128xf32>
    %dot_general3A = arith.constant dense<0.000000e+00> : vector<1000x128xf32>
    %dot_general3A_5 = tpu.matmul %get3A_1, %get3A_4, %dot_general3A {dimension_numbers = #tpu.dot_dimension_numbers<[1], [0], [0], [1], [0, 0, 1, 1], [], []>, transpose_lhs_hint = false} : vector<1000x128xf32>, vector<128x128xf32>, vector<1000x128xf32> -> vector<1000x128xf32>
    %get3A_6 = arith.constant 0 : index
    %get3A_7 = arith.constant 0 : index
    %get3A_8 = vector.load %arg3[%get3A_6, %get3A_7] : memref<1x128xf32, #tpu.memory_space<vmem>>, vector<1x128xf32>
    %add3A = vector.broadcast %get3A_8 : vector<1x128xf32> to vector<1000x128xf32>
    %add3A_9 = arith.addf %dot_general3A_5, %add3A : vector<1000x128xf32>
    %get3A_10 = arith.constant 0 : index
    %get3A_11 = arith.constant 0 : index
    %get3A_12 = vector.load %arg4[%get3A_10, %get3A_11] : memref<128x128xf32, #tpu.memory_space<vmem>>, vector<128x128xf32>
    %dot_general3A_13 = arith.constant dense<0.000000e+00> : vector<1000x128xf32>
    %dot_general3A_14 = tpu.matmul %add3A_9, %get3A_12, %dot_general3A_13 {dimension_numbers = #tpu.dot_dimension_numbers<[1], [0], [0], [1], [0, 0, 1, 1], [], []>, transpose_lhs_hint = false} : vector<1000x128xf32>, vector<128x128xf32>, vector<1000x128xf32> -> vector<1000x128xf32>
    %swap3A = arith.constant 0 : index
    %swap3A_15 = arith.constant 0 : index
    %swap3A_16 = vector.load %arg7[%swap3A, %swap3A_15] : memref<1000x128xf32, #tpu.memory_space<vmem>>, vector<1000x128xf32>
    tpu.vector_store %arg7[%swap3A, %swap3A_15], %dot_general3A_14 {strides = array<i32>} : memref<1000x128xf32, #tpu.memory_space<vmem>>, vector<1000x128xf32>,
    %get3A_17 = arith.constant 0 : index
    %get3A_18 = arith.constant 0 : index
    %get3A_19 = vector.load %arg5[%get3A_17, %get3A_18] : memref<128x128xf32, #tpu.memory_space<vmem>>, vector<128x128xf32>
    %dot_general3A_20 = arith.constant dense<0.000000e+00> : vector<1000x128xf32>
    %dot_general3A_21 = tpu.matmul %add3A_9, %get3A_19, %dot_general3A_20 {dimension_numbers = #tpu.dot_dimension_numbers<[1], [0], [0], [1], [0, 0, 1, 1], [], []>, transpose_lhs_hint = false} : vector<1000x128xf32>, vector<128x128xf32>, vector<1000x128xf32> -> vector<1000x128xf32>
    %get3A_22 = arith.constant 0 : index
    %get3A_23 = arith.constant 0 : index
    %get3A_24 = vector.load %arg6[%get3A_22, %get3A_23] : memref<1x128xf32, #tpu.memory_space<vmem>>, vector<1x128xf32>
    %add3A_25 = vector.broadcast %get3A_24 : vector<1x128xf32> to vector<1000x128xf32>
    %add3A_26 = arith.addf %dot_general3A_21, %add3A_25 : vector<1000x128xf32>
    %swap3A_27 = arith.constant 0 : index
    %swap3A_28 = arith.constant 0 : index
    %swap3A_29 = vector.load %arg8[%swap3A_27, %swap3A_28] : memref<1000x128xf32, #tpu.memory_space<vmem>>, vector<1000x128xf32>
    tpu.vector_store %arg8[%swap3A_27, %swap3A_28], %add3A_26 {strides = array<i32>} : memref<1000x128xf32, #tpu.memory_space<vmem>>, vector<1000x128xf32>,
    return
  }
  func.func @transform_0(%arg0: i32) -> (i32, i32) {
    %c0_i32 = arith.constant 0 : i32
    %c0_i32_0 = arith.constant 0 : i32
    return %arg0, %c0_i32 : i32, i32
  }
  func.func @transform_1(%arg0: i32) -> (i32, i32) {
    %c0_i32 = arith.constant 0 : i32
    %c0_i32_0 = arith.constant 0 : i32
    %c0_i32_1 = arith.constant 0 : i32
    return %c0_i32, %c0_i32_0 : i32, i32
  }
  func.func @transform_2(%arg0: i32) -> (i32, i32) {
    %c0_i32 = arith.constant 0 : i32
    %c0_i32_0 = arith.constant 0 : i32
    %c0_i32_1 = arith.constant 0 : i32
    return %c0_i32, %c0_i32_0 : i32, i32
  }
  func.func @transform_3(%arg0: i32) -> (i32, i32) {
    %c0_i32 = arith.constant 0 : i32
    %c0_i32_0 = arith.constant 0 : i32
    %c0_i32_1 = arith.constant 0 : i32
    return %c0_i32, %c0_i32_0 : i32, i32
  }
  func.func @transform_4(%arg0: i32) -> (i32, i32) {
    %c0_i32 = arith.constant 0 : i32
    %c0_i32_0 = arith.constant 0 : i32
    %c0_i32_1 = arith.constant 0 : i32
    return %c0_i32, %c0_i32_0 : i32, i32
  }
  func.func @transform_5(%arg0: i32) -> (i32, i32) {
    %c0_i32 = arith.constant 0 : i32
    %c0_i32_0 = arith.constant 0 : i32
    %c0_i32_1 = arith.constant 0 : i32
    return %c0_i32, %c0_i32_0 : i32, i32
  }
  func.func @transform_6(%arg0: i32) -> (i32, i32) {
    %c0_i32 = arith.constant 0 : i32
    %c0_i32_0 = arith.constant 0 : i32
    return %arg0, %c0_i32 : i32, i32
  }
  func.func @transform_7(%arg0: i32) -> (i32, i32) {
    %c0_i32 = arith.constant 0 : i32
    %c0_i32_0 = arith.constant 0 : i32
    return %arg0, %c0_i32 : i32, i32
  }
}

</mosaic_0001>

<sc_bundles>
// kernel: kernel.4.cloned.1.call-start
scs
__scs_entry_jumppad:
0x0: {  	(pc) =	sbr.rel $0x88, $3  }
0x1: {  	(tag) =	ssettag $0x0;
	lr =	simm.s32 $0x1  }
0x2: {  	[smem:$0x3F99] =	sst lr;
	_ =	strace $0xD0000000  }
0x3: {  	_ = 	snop  }
0x4: {  	_ = 	snop  }
0x5: {  	_ = 	snop  }
0x6: {  	_ = 	snop  }
0x7: {  	_ = 	snop  }
__scs_overlays_trampoline_lowered:
0x8: {  	[smem:$0x3FA8] =	sst s0  }
0x9: {  	[smem:$0x3FA9] =	sst s1  }
0xa: {  	[smem:$0x3FAA] =	sst s2  }
0xb: {  	[smem:$0x3FAB] =	sst s3  }
0xc: {  	[smem:$0x3FAC] =	sst s4  }
0xd: {  	[smem:$0x3FAD] =	sst s5  }
0xe: {  	[smem:$0x3FAE] =	sst s6  }
0xf: {  	[smem:$0x3FAF] =	sst s7  }
0x10: {  	[smem:$0x3FB0] =	sst s8  }
0x11: {  	[smem:$0x3FB1] =	sst s9;
	s0 =	simm.s32 @!p0 $0x0  }
0x12: {  	s1 =	sld [smem:$0x3F97];
	s0 =	simm.s32 @p0 $0x1  }
0x13: {  	[smem:$0x3FB2] =	sst s0;
	s0 =	simm.s32 @!p1 $0x0  }
0x14: {  	s2 =	sld [smem:$0x3F96];
	s0 =	simm.s32 @p1 $0x1  }
0x15: {  	[smem:$0x3FB3] =	sst s0;
	s0 =	simm.s32 @!p2 $0x0  }
0x16: {  	s3 =	sld [smem:$0x3FDB];
	s0 =	simm.s32 @p2 $0x1  }
0x17: {  	s4 =	simm.s32 $0x1BF5;
	[smem:$0x3FB5] =	sst s0  }
0x18: {  	s0 =	sld [smem:$0x3F98];
	_ =	swait.ge [sflag:s4], $0x0  }
0x19: {  	s7 =	sld [smem:$0x3F99]  }
0x1a: {  	s8 =	sadd.s32 $0xFFFFE003, lr  }
0x1b: {  	s9 =	sadd.s32 $0xFFFFFEF7, lr;
	s5 =	simm.s32 $0xFFFFFFFF;
	p2 =	slt.u32 s8, $0xFFFFF086  }
0x1c: {  	p1 =	slt.u32 s9, $0xF7A;
	s5 =	simm.s32 @!p2 $0x0  }
0x1d: {  	s5 =	simm.s32 @p1 $0x1;
	p0 =	seq.s32 s7, s2  }
0x1e: {  	s7 =	smul.u32 @!p0 $0xF7A, s2;
	p2 =	seq.s32 @!p0 s5, $0x0  }
0x1f: {  	s9 =	smul.u32 $0xF7A, s1;
	s8 =	simm.s32 @!p0 $0x1BF5;
	p2 =	por !p2, p0  }
0x20: {  	[sflag:s8] =	ssyncset.s32 @!p0 $0xFFFFF086;
	s6 =	sadd.s32 @!p0 s3, s7;
	s7 =	simm.s32 @!p0 $0x108  }
0x21: {  	s3 =	sadd.s32 s3, s9;
	s6 =	sadd.s32 @!p0 $0x88, s6;
	s7 =	simm.s32 @p2 $0x1082  }
0x22: {  	[simem:s7], [sflag:s8] =	dma.local @!p0 [hbm:s6], $0xF7A  }
0x23: {  	s9 =	sor.u32 $0xD0000000, s2;
	s6 =	simm.s32 $0x108;
	_ =	swait.ge @!p0 [sflag:s8], $0x0  }
0x24: {  	s3 =	sadd.s32 $0x88, s3;
	s6 =	simm.s32 @!p1 $0x1082;
	[sflag:s4] =	ssyncset.s32 $0xFFFFF086  }
0x25: {  	[simem:s6], [sflag:s4] =	dma.local [hbm:s3], $0xF7A  }
0x26: {  	[smem:$0x3F99] =	sst s1;
	(tag) =	ssettag s2;
	_ =	strace s9  }
0x27: {  	s1 =	sld [smem:$0x3FA9]  }
0x28: {  	s2 =	sld [smem:$0x3FAA]  }
0x29: {  	s4 =	sld [smem:$0x3FAC]  }
0x2a: {  	p0 =	seq.s32 s5, $0x0;
	s5 =	sld [smem:$0x3FAD]  }
0x2b: {  	s6 =	sld [smem:$0x3FAE]  }
0x2c: {  	s7 =	sld [smem:$0x3FAF]  }
0x2d: {  	s3 =	simm.s32 $0x108;
	s8 =	sld [smem:$0x3FB0]  }
0x2e: {  	s3 =	simm.s32 @!p0 $0x1082;
	s9 =	sld [smem:$0x3FB1]  }
0x2f: {  	lr =	sadd.s32 s0, s3;
	s0 =	sld [smem:$0x3FA8]  }
0x30: {  	s3 =	sld [smem:$0x3FAB]  }
0x31: {  	[smem:$0x3FB4] =	sst s10  }
0x32: {  	s10 =	sld [smem:$0x3FB2];
	_ =	sdelay $0x3  }
0x33: {  	p0 =	seq.s32 s10, $0x1;
	s10 =	sld [smem:$0x3FB4];
	_ =	sdelay $0x3  }
0x34: {  	[smem:$0x3FB4] =	sst s10  }
0x35: {  	s10 =	sld [smem:$0x3FB3];
	_ =	sdelay $0x3  }
0x36: {  	p1 =	seq.s32 s10, $0x1;
	s10 =	sld [smem:$0x3FB4];
	_ =	sdelay $0x3  }
0x37: {  	[smem:$0x3FB4] =	sst s10  }
0x38: {  	s10 =	sld [smem:$0x3FB5]  }
0x39: {  	_ = 	snop;
	(pc) =	sbr.ind lr, $3  }
0x3a: {  	_ = 	snop  }
0x3b: {  	_ = 	snop  }
0x3c: {  	p2 =	seq.s32 s10, $0x1;
	s10 =	sld [smem:$0x3FB4]  }
0x3d: {  	_ =	shalt  }
0x3e: {  	_ =	shalt  }
0x3f: {  	_ =	shalt  }
0x40: {  	_ =	shalt  }
0x41: {  	_ =	shalt  }
0x42: {  	_ =	shalt  }
0x43: {  	_ =	shalt  }
0x44: {  	_ =	shalt  }
0x45: {  	_ =	shalt  }
0x46: {  	_ =	shalt  }
0x47: {  	_ =	shalt  }
0x48: {  	_ =	shalt  }
0x49: {  	_ =	shalt  }
0x4a: {  	_ =	shalt  }
0x4b: {  	_ =	shalt  }
0x4c: {  	_ =	shalt  }
0x4d: {  	_ =	shalt  }
0x4e: {  	_ =	shalt  }
0x4f: {  	_ =	shalt  }
0x50: {  	_ =	shalt  }
0x51: {  	_ =	shalt  }
0x52: {  	_ =	shalt  }
0x53: {  	_ =	shalt  }
0x54: {  	_ =	shalt  }
0x55: {  	_ =	shalt  }
0x56: {  	_ =	shalt  }
0x57: {  	_ =	shalt  }
0x58: {  	_ =	shalt  }
0x59: {  	_ =	shalt  }
0x5a: {  	_ =	shalt  }
0x5b: {  	_ =	shalt  }
0x5c: {  	_ =	shalt  }
0x5d: {  	_ =	shalt  }
0x5e: {  	_ =	shalt  }
0x5f: {  	_ =	shalt  }
0x60: {  	_ =	shalt  }
0x61: {  	_ =	shalt  }
0x62: {  	_ =	shalt  }
0x63: {  	_ =	shalt  }
0x64: {  	_ =	shalt  }
0x65: {  	_ =	shalt  }
0x66: {  	_ =	shalt  }
0x67: {  	_ =	shalt  }
0x68: {  	_ =	shalt  }
0x69: {  	_ =	shalt  }
0x6a: {  	_ =	shalt  }
0x6b: {  	_ =	shalt  }
0x6c: {  	_ =	shalt  }
0x6d: {  	_ =	shalt  }
0x6e: {  	_ =	shalt  }
0x6f: {  	_ =	shalt  }
0x70: {  	_ =	shalt  }
0x71: {  	_ =	shalt  }
0x72: {  	_ =	shalt  }
0x73: {  	_ =	shalt  }
0x74: {  	_ =	shalt  }
0x75: {  	_ =	shalt  }
0x76: {  	_ =	shalt  }
0x77: {  	_ =	shalt  }
0x78: {  	_ =	shalt  }
0x79: {  	_ =	shalt  }
0x7a: {  	_ =	shalt  }
0x7b: {  	_ =	shalt  }
0x7c: {  	_ =	shalt  }
0x7d: {  	_ =	shalt  }
0x7e: {  	_ =	shalt  }
0x7f: {  	_ =	shalt  }
0x80: {  	_ =	shalt  }
0x81: {  	_ =	shalt  }
0x82: {  	_ =	shalt  }
0x83: {  	_ =	shalt  }
0x84: {  	_ =	shalt  }
0x85: {  	_ =	shalt  }
0x86: {  	_ =	shalt  }
0x87: {  	_ =	shalt  }
.Lfunc_end0:
.L_simem_size_0:
called_computation_lowered:
.L_overlay_start_0:
0x88: {  	s2 =	sld [smem:$0x3FD9]  }
0x89: {  	s3 =	sld [smem:$0x3FFE];
	_ =	sdelay $0x1  }
0x8a: {  	s1 =	srdreg.scid  }
0x8b: {  	s0 =	sand.u32 $0x1, s1  }
0x8c: {  	s17 =	sshll.u32 s0, $0xA;
	s2 =	sadd.s32 s3, s2  }
0x8d: {  	s2 =	sadd.s32 s2, s17  }
0x8e: {  	[smem:$0x3FC0] =	sst s2  }
0x8f: {  	_ = 	snop  }
0x90: {  	s2 =	sld [smem:$0x3FD0];
	(tm) =	ssettm $0x1  }
0x91: {  	s18 =	sld [smem:$0x3FFB];
	_ =	sdelay $0x3  }
0x92: {  	_ =	strace s18  }
0x93: {  	s3 =	sld [smem:$0x3FFC];
	_ =	sdelay $0x3  }
0x94: {  	_ =	strace s3  }
0x95: {  	s3 =	sld [smem:$0x3FFD];
	_ =	sdelay $0x3  }
0x96: {  	_ =	strace s3  }
0x97: {  	_ =	strace $0x8FFFFFFF  }
0x98: {  	s19 =	sld [smem:$0x3FDB];
	_ =	sdelay $0x1  }
0x99: {  	s4 =	simm.s32 $_scs_section_size  }
0x9a: {  	s5 =	simm.s32 $_size__tile_overlayer_lowered;
	s6 =	simm.s32 $_tile_overlayer_lowered  }
0x9b: {  	s22 =	simm.s32 $0x1BFF;
	s21 =	sshll.u32 s6, $0x1;
	s3 =	sadd.s32 s4, s19  }
0x9c: {  	s7 =	simm.s32 $0x0;
	s20 =	sshll.u32 s5, $0x1;
	s5 =	sadd.s32 s21, s3  }
0x9d: {  	[timem:s7], [sflag:s22] =	dma.local [hbm:s5], s20  }
0x9e: {  	_ =	swait.ge [sflag:s22], s20  }
0x9f: {  	s4 =	ssub.s32 $0x0, s20;
	[sflag:s22] =	ssyncset.done $0x0  }
0xa0: {  	[sflag:s22] =	ssyncadd.s32 s4;
	_ =	sdelay $0x1  }
0xa1: {  	s23 =	simm.s32 $0x1B8B  }
0xa2: {  	_ =	swait.ge [sflag:s23], $0x1  }
0xa3: {  	[sflag:s23] =	ssyncset.done $0x0  }
0xa4: {  	s25 =	simm.s32 $0x1B8E;
	s24 =	sld [smem:$0x3FFE];
	[sflag:s23] =	ssyncadd.s32 $0xFFFFFFFF  }
0xa5: {  	s26 =	simm.s32 $execute0_lowered;
	[smem:$0x3FD2] =	sst s25  }
0xa6: {  	s5 =	sshll.u32 s26, $0x1;
	_ =	strace $0x80000046;
	[dreg:$0x1] =	wrdreg $0xFFFFFFFF  }
0xa7: {  	s28 =	simm.s32 $_size_execute0_lowered;
	s3 =	sadd.s32 s3, s5;
	[dreg:$0x0] =	wrdreg $0x0  }
0xa8: {  	s5 =	sshll.u32 s28, $0x1;
	[dreg:$0x2] =	wrdreg s3  }
0xa9: {  	[dreg:$0x3] =	wrdreg s5  }
0xaa: {  	[dreg:$0x4] =	wrdreg $0xC0  }
0xab: {  	_ =	task [dreg:s7], $0x5FFFF  }
0xac: {  	[dreg:$0x1] =	wrdreg $0xFFFFFFFF  }
0xad: {  	[dreg:$0x0] =	wrdreg $0x60  }
0xae: {  	[dreg:$0x2] =	wrdreg s24  }
0xaf: {  	[dreg:$0x3] =	wrdreg s2  }
0xb0: {  	[dreg:$0x4] =	wrdreg $0x9  }
0xb1: {  	_ =	task.clear_ibuf [dreg:s7], $0x5FFFF;
	_ =	strace $0x90000046  }
0xb2: {  	s29 =	simm.s32 $0x9;
	_ =	strace $0x80000048  }
0xb3: {  	_ =	swait.ge [sflag:s29], $0x1  }
0xb4: {  	[sflag:s29] =	ssyncadd.s32 $0xFFFFFFFF  }
0xb5: {  	_ =	strace $0x90000048  }
0xb6: {  	_ =	sfence  }
0xb7: {  	s30 =	sld [smem:$0x0];
	_ =	sdelay $0x2  }
0xb8: {  	s31 =	sshll.u32 s1, $0xD;
	s1 =	sshrl.u32 s1, $0x2  }
0xb9: {  	s3 =	sand.u32 $0x4000, s31;
	s1 =	sadd.s32 s1, s30  }
0xba: {  	s0 =	sor.u32 s3, s0;
	s1 =	sshll.u32 s1, $0x11  }
0xbb: {  	s0 =	sor.u32 s1, s0  }
0xbc: {  	s0 =	sadd.s32 $0x8F2B, s0  }
0xbd: {  	[sflag:s0] =	ssyncadd.remote.s32 $0x1  }
0xbe: {  	_ =	sfence.sel $0xFFFF  }
0xbf: {  	[dreg:$0x0] =	wrdreg $0xFFFFFFFF;
	(pc) =	sbr.abs _section_cstart, $3  }
0xc0: {  	[dreg:$0x1] =	wrdreg $0xFFFFFFFF  }
0xc1: {  	_ =	task.clear_ibuf [dreg:s7], $0x2FFFF;
	_ =	strace $0x9FFFFFFF  }
0xc2: {  	(tm) =	ssettm $0x7FFFFFFF  }
0xc3: {  	_ =	shalt  }
tec
execute0_lowered:
.L_overlay_start_1:
0x0: {  	(tag) =	ssettag $0x1  }
0x1: {  	s8 =	rddreg [dreg:$0x0]  }
0x2: {  	s1 =	rddreg [dreg:$0x1]  }
0x3: {  	s0 =	rddreg [dreg:$0x2];
	s2 =	simm.s32 $0x0  }
0x4: {  	s3 =	srdreg.scid;
	s13 =	simm.s32 $0x80;
	s14 =	simm.s32 $0x50  }
0x5: {  	s15 =	simm.s32 $0x100;
	s16 =	simm.s32 $0x2900;
	s17 =	simm.s32 $0x1  }
0x6: {  	s18 =	simm.s32 $0x2;
	s19 =	simm.s32 $0x5200;
	s20 =	simm.s32 $0x0  }
0x7: {  	[smem:$0x7FF] =	sst s2;
	s4 =	sadd.s32 $0x29400, s8;
	s5 =	sadd.s32 $0x50600, s8  }
0x8: {  	v0 =	vlaneseq.u32;
	s9 =	sand.u32 $0x1, s3;
	s6 =	sadd.s32 $0x15800, s8;
	s3 =	stileid.u32  }
0x9: {  	s7 =	sadd.s32 $0x1E00, s8;
	s8 =	sadd.s32 $0x29200, s8;
	v0 =	vmul.u32 $0x80, v0;
	s10 =	ssub.s32 $0x2, s9  }
0xa: {  	_ =	strace $0x80000047;
	s12 =	sshll.u32 s3, $0x1;
	s11 =	sshrl.u32 s10, $0x1  }
0xb: {  	v1 =	vimm.s32 $0x80;
	s9 =	sor.u32 s9, s12;
	s12 =	simm.s32 $0x3;
	v2 =	vor.u32 $0x800, v0;
	s10 =	ssub.s32 s10, s11  }
0xc: {  	v3 =	vor.u32 $0x1000, v0;
	v4 =	vor.u32 $0x1800, v0;
	v5 =	vor.u32 $0x2000, v0;
	s9 =	smul.u32 $0x4E20, s9;
	s11 =	simm.s32 $0x5100;
	s10 =	smax.u32 s10, $0x1  }
.LBB2_1:
0xd: {  	[tilespmem:s11], [sflag:$0x3] =	stream.linear.gather [hbm4b:s8+s2], $0x100, $0x38;
	[tilespmem:$0x5280] =	vst v63  }
0xe: {  	_ =	swait.ge [sflag:s12], $0x100  }
0xf: {  	[sflag:s12] =	ssyncset.done $0x0  }
0x10: {  	[sflag:s12] =	ssyncadd.s32 $0xFFFFFF00  }
0x11: {  	s21 =	simm.s32 $0x0;
	v6 =	vld.idx.msk [tilespmem:v1+s11+$0x0], $0xffff  }
.LBB2_2:
0x12: {  	s22 =	smul.u32 $0x50, s21;
	_ =	sdelay $0x1  }
0x13: {  	s22 =	sadd.s32 s9, s22  }
0x14: {  	s22 =	sshrl.u32 s22, $0x3  }
0x15: {  	s23 =	simm.s32 $0x0;
	s24 =	sadd.s32 s6, s22  }
0x16: {  	[tilespmem:s23], [sflag:$0x3] =	stream.linear.gather [hbm4b:s24+s23], $0x50, $0x38;
	[tilespmem:$0x5280] =	vst v63  }
0x17: {  	_ =	swait.ge [sflag:s12], $0x50  }
0x18: {  	[sflag:s12] =	ssyncset.done $0x0  }
0x19: {  	s30 =	sadd.s32 s7, s22;
	[sflag:s12] =	ssyncadd.s32 $0xFFFFFFB0  }
0x1a: {  	[tilespmem:s13], [sflag:$0x3] =	stream.linear.gather [hbm4b:s30+s23], $0x50, $0x38;
	[tilespmem:$0x5280] =	vst v63  }
0x1b: {  	_ =	swait.ge [sflag:s12], $0x50  }
0x1c: {  	[sflag:s12] =	ssyncset.done $0x0  }
0x1d: {  	[sflag:s12] =	ssyncadd.s32 $0xFFFFFFB0  }
0x1e: {  	[tilespmem:s15], [sflag:$0x1] =	stream.indirect.gather [hbm4b:s4+s14], $0x80, s23, s14, $0xb8;
	[tilespmem:$0x5280] =	vst v63  }
0x1f: {  	_ = 	snop  }
0x20: {  	[tilespmem:s16], [sflag:$0x2] =	stream.indirect.gather [hbm4b:s5+s14], $0x80, s13, s14, $0xb8;
	[tilespmem:$0x5280] =	vst v63  }
0x21: {  	s25 =	simm.s32 $0x1;
	_ =	swait.ge [sflag:s17], $0x2800  }
0x22: {  	v7 =	vor.u32 s25, v2;
	[sflag:s17] =	ssyncset.done $0x0  }
0x23: {  	s26 =	simm.s32 $0x3;
	[sflag:s17] =	ssyncadd.s32 $0xFFFFD800  }
0x24: {  	v8 =	vor.u32 s26, v2;
	_ =	swait.ge [sflag:s18], $0x2800  }
0x25: {  	[sflag:s18] =	ssyncset.done $0x0  }
0x26: {  	v11 =	vmov s25;
	[sflag:s18] =	ssyncadd.s32 $0xFFFFD800  }
0x27: {  	s31 =	simm.s32 $0x2;
	v12 =	vor.u32 s26, v4;
	v13 =	vld.idx.msk [tilespmem:v7+s15+$0x0], $0xffff  }
0x28: {  	v14 =	vor.u32 s31, v4;
	v15 =	vld.idx.msk [tilespmem:v7+s16+$0x0], $0xffff  }
0x29: {  	v16 =	vor.u32 s25, v4;
	v17 =	vld.idx.msk [tilespmem:v8+s16+$0x0], $0xffff  }
0x2a: {  	v18 =	vmov s31;
	v20 =	vld.idx.msk [tilespmem:v8+s15+$0x0], $0xffff  }
0x2b: {  	v7 =	vld.idx.msk [tilespmem:v11+s11+$0x0], $0xffff  }
0x2c: {  	v21 =	vld.idx.msk [tilespmem:v12+s15+$0x0], $0xffff  }
0x2d: {  	v22 =	vld.idx.msk [tilespmem:v14+s16+$0x0], $0xffff  }
0x2e: {  	v24 =	vor.u32 s31, v2;
	v23 =	vld.idx.msk [tilespmem:v16+s15+$0x0], $0xffff  }
0x2f: {  	v25 =	vor.u32 s26, v0;
	v8 =	vld.idx.msk [tilespmem:v18+s11+$0x0], $0xffff  }
0x30: {  	v26 =	vor.u32 s31, v5;
	v12 =	vld.idx.msk [tilespmem:v12+s16+$0x0], $0xffff  }
0x31: {  	v16 =	vld.idx.msk [tilespmem:v16+s16+$0x0], $0xffff  }
0x32: {  	v31 =	vor.u32 s31, v0;
	v29 =	vld.idx.msk [tilespmem:v14+s15+$0x0], $0xffff  }
0x33: {  	v28 =	vld.idx.msk [tilespmem:v24+s16+$0x0], $0xffff  }
0x34: {  	v33 =	vld.idx.msk [tilespmem:v25+s16+$0x0], $0xffff  }
0x35: {  	v35 =	vld.idx.msk [tilespmem:v26+s16+$0x0], $0xffff  }
0x36: {  	v34 =	vor.u32 s23, v4;
	v30 =	vld.idx.msk [tilespmem:v24+s15+$0x0], $0xffff  }
0x37: {  	v11 =	vor.u32 s25, v3;
	v24 =	vld.idx.msk [tilespmem:v31+s16+$0x0], $0xffff  }
0x38: {  	v26 =	vld.idx.msk [tilespmem:v26+s15+$0x0], $0xffff  }
0x39: {  	v27 =	vor.u32 s25, v5;
	v25 =	vld.idx.msk [tilespmem:v25+s15+$0x0], $0xffff  }
0x3a: {  	v40 =	vld.idx.msk [tilespmem:v31+s15+$0x0], $0xffff  }
0x3b: {  	v39 =	vor.u32 s23, v5;
	v43 =	vld.idx.msk [tilespmem:v34+s15+$0x0], $0xffff  }
0x3c: {  	v18 =	vld.idx.msk [tilespmem:v11+s16+$0x0], $0xffff  }
0x3d: {  	v42 =	vor.u32 s23, v3;
	v19 =	vld.idx.msk [tilespmem:v11+s15+$0x0], $0xffff;
	v17 =	vadd.f32 v17, v20  }
0x3e: {  	v10 =	vor.u32 s25, v0;
	v11 =	vor.u32 s26, v3;
	v20 =	vld.idx.msk [tilespmem:v27+s15+$0x0], $0xffff  }
0x3f: {  	v41 =	vor.u32 s23, v0;
	v16 =	vadd.f32 v16, v23;
	v23 =	vld.idx.msk [tilespmem:v27+s16+$0x0], $0xffff;
	v36 =	vmul.f32 $9.999999770e-03, v17  }
0x40: {  	v13 =	vadd.f32 v15, v13;
	v15 =	vmov s26;
	v63 =	vadd.f32 v24, v40;
	v40 =	vld.idx.msk [tilespmem:v39+s15+$0x0], $0xffff  }
0x41: {  	v14 =	vimm.f32 $0.0e+00;
	v31 =	vor.u32 s26, v5;
	v17 =	vmax.f32 v17, v36;
	v36 =	vld.idx.msk [tilespmem:v39+s16+$0x0], $0xffff  }
0x42: {  	v27 =	vor.u32 s23, v2;
	v22 =	vadd.f32 v22, v29;
	v32 =	vmul.f32 $9.999999770e-03, v13;
	v39 =	vld.idx.msk [tilespmem:v42+s15+$0x0], $0xffff  }
0x43: {  	v21 =	vadd.f32 v12, v21;
	v25 =	vadd.f32 v33, v25;
	v29 =	vmul.f32 $9.999999770e-03, v16;
	v37 =	vld.idx.msk [tilespmem:v11+s15+$0x0], $0xffff  }
0x44: {  	v45 =	vmul.f32 $9.999999770e-03, v63;
	v13 =	vmax.f32 v13, v32;
	v32 =	vmov s23;
	v38 =	vld.idx.msk [tilespmem:v11+s16+$0x0], $0xffff  }
0x45: {  	v12 =	vmul.f32 v13, v7;
	v11 =	vld.idx.msk [tilespmem:v15+s11+$0x0], $0xffff;
	v13 =	vmul.f32 $9.999999770e-03, v22;
	v15 =	vmax.f32 v16, v29  }
0x46: {  	v16 =	vmul.f32 $9.999999770e-03, v21;
	v29 =	vld.idx.msk [tilespmem:v34+s16+$0x0], $0xffff;
	v20 =	vadd.f32 v23, v20;
	v23 =	vmul.f32 $9.999999770e-03, v25  }
0x47: {  	v34 =	vld.idx.msk [tilespmem:v42+s16+$0x0], $0xffff;
	v42 =	vadd.f32 v35, v26;
	v13 =	vmax.f32 v22, v13;
	v22 =	vor.u32 s31, v3  }
0x48: {  	v26 =	vimm.f32 $0.0e+00;
	v21 =	vmax.f32 v21, v16;
	v16 =	vmul.f32 $9.999999770e-03, v20  }
0x49: {  	v9 =	vld.idx.msk [tilespmem:v10+s16+$0x0], $0xffff;
	v15 =	vmul.f32 v15, v7;
	v23 =	vmax.f32 v25, v23;
	v44 =	vadd.f32 v38, v37  }
0x4a: {  	v13 =	vmul.f32 v13, v8;
	v16 =	vmax.f32 v20, v16;
	v38 =	vld.idx.msk [tilespmem:v41+s15+$0x0], $0xffff;
	v17 =	vmul.f32 v17, v11  }
0x4b: {  	v41 =	vld.idx.msk [tilespmem:v41+s16+$0x0], $0xffff;
	v37 =	vadd.f32 v29, v43;
	v24 =	vmul.f32 v16, v7;
	v25 =	vmul.f32 $9.999999770e-03, v44  }
0x4c: {  	v29 =	vmax.f32 v63, v45;
	v16 =	vmul.f32 v23, v11;
	v23 =	vimm.f32 $0.0e+00;
	v33 =	vld.idx.msk [tilespmem:v22+s15+$0x0], $0xffff  }
0x4d: {  	s23 =	simm.s32 $0x4;
	v35 =	vld.idx.msk [tilespmem:v22+s16+$0x0], $0xffff;
	v22 =	vimm.f32 $0.0e+00;
	v20 =	vmax.f32 v44, v25;
	v25 =	vimm.f32 $0.0e+00  }
.LBB2_3:
0x4e: {  	s28 =	sadd.s32 $0x1, s23  }
0x4f: {  	p0 =	slt.u32 s23, $0x7C;
	v29 =	vmul.f32 v29, v8;
	v28 =	vadd.f32 v28, v30;
	v30 =	vmul.f32 $9.999999770e-03, v42;
	v43 =	vld.idx.msk [tilespmem:v31+s15+$0x0], $0xffff;
	s25 =	smov.u32 s23;
	s23 =	sadd.s32 $0x4, s23  }
0x50: {  	v46 =	vmul.f32 $9.999999770e-03, v37;
	v44 =	vor.u32 s28, v0;
	v45 =	vor.u32 s28, v2;
	v31 =	vld.idx.msk [tilespmem:v31+s16+$0x0], $0xffff  }
0x51: {  	v36 =	vadd.f32 v36, v40;
	v18 =	vadd.f32 v18, v19;
	v47 =	vor.u32 s28, v4;
	s24 =	sadd.s32 $0x2, s25;
	v48 =	vld.idx.msk [tilespmem:v27+s15+$0x0], $0xffff  }
0x52: {  	s26 =	sadd.s32 $0x3, s25;
	v19 =	vadd.f32 v41, v38;
	v40 =	vor.u32 s24, v4;
	v30 =	vmax.f32 v42, v30;
	v27 =	vld.idx.msk [tilespmem:v27+s16+$0x0], $0xffff  }
0x53: {  	v38 =	vor.u32 s26, v2;
	v41 =	vor.u32 s26, v4;
	v42 =	vmul.f32 $9.999999770e-03, v36;
	v32 =	vld.idx.msk [tilespmem:v32+s11+$0x0], $0xffff  }
0x54: {  	v49 =	vmov s28;
	v34 =	vadd.f32 v34, v39;
	v50 =	vmul.f32 $9.999999770e-03, v28;
	v39 =	vld.idx.msk [tilespmem:v10+s15+$0x0], $0xffff;
	v10 =	vmovc v44  }
0x55: {  	v51 =	vor.u32 s28, v3;
	v53 =	vmul.f32 $9.999999770e-03, v18;
	v52 =	vmul.f32 $9.999999770e-03, v19;
	v44 =	vld.idx.msk [tilespmem:v44+s16+$0x0], $0xffff  }
0x56: {  	v55 =	vor.u32 s28, v5;
	v37 =	vmax.f32 v37, v46;
	v28 =	vmax.f32 v28, v50;
	v54 =	vld.idx.msk [tilespmem:v45+s15+$0x0], $0xffff  }
0x57: {  	v46 =	vmov s26;
	v50 =	vmul.f32 $9.999999770e-03, v34;
	v56 =	vmul.f32 v28, v8;
	v45 =	vld.idx.msk [tilespmem:v45+s16+$0x0], $0xffff  }
0x58: {  	v36 =	vmax.f32 v36, v42;
	v28 =	vmov s24;
	v27 =	vadd.f32 v27, v48;
	v57 =	vld.idx.msk [tilespmem:v38+s16+$0x0], $0xffff  }
0x59: {  	v42 =	vor.u32 s24, v0;
	v48 =	vor.u32 s26, v0;
	v36 =	vmul.f32 v36, v32;
	v38 =	vld.idx.msk [tilespmem:v38+s15+$0x0], $0xffff  }
0x5a: {  	v58 =	vor.u32 s24, v2;
	v59 =	vor.u32 s26, v3;
	v60 =	vmul.f32 $9.999999770e-03, v27;
	v49 =	vld.idx.msk [tilespmem:v49+s11+$0x0], $0xffff  }
0x5b: {  	v61 =	vor.u32 s24, v5;
	v33 =	vadd.f32 v35, v33;
	v34 =	vmax.f32 v34, v50;
	v62 =	vld.idx.msk [tilespmem:v41+s15+$0x0], $0xffff  }
0x5c: {  	v50 =	vmax.f32 v18, v53;
	v31 =	vadd.f32 v31, v43;
	v27 =	vmax.f32 v27, v60;
	v35 =	vld.idx.msk [tilespmem:v40+s16+$0x0], $0xffff  }
0x5d: {  	v52 =	vmax.f32 v19, v52;
	v18 =	vmul.f32 $9.999999770e-03, v33;
	v53 =	vmul.f32 v30, v8;
	v43 =	vld.idx.msk [tilespmem:v47+s15+$0x0], $0xffff  }
0x5e: {  	v30 =	vadd.f32 v9, v39;
	v27 =	vmul.f32 v27, v32;
	v60 =	vld.idx.msk [tilespmem:v28+s11+$0x0], $0xffff;
	v28 =	vmul.f32 v34, v32  }
0x5f: {  	v33 =	vmax.f32 v33, v18;
	v39 =	vmul.f32 v21, v11;
	v21 =	vmul.f32 $9.999999770e-03, v31;
	v9 =	vmovc v44;
	v34 =	vld.idx.msk [tilespmem:v41+s16+$0x0], $0xffff  }
0x60: {  	v44 =	vmul.f32 $9.999999770e-03, v30;
	v41 =	vadd.f32 v45, v54;
	v45 =	vmul.f32 v50, v7;
	v18 =	vld.idx.msk [tilespmem:v51+s16+$0x0], $0xffff  }
0x61: {  	v21 =	vmax.f32 v31, v21;
	v14 =	vadd.f32 v27, v14;
	v26 =	vadd.f32 v28, v26;
	v19 =	vld.idx.msk [tilespmem:v51+s15+$0x0], $0xffff  }
0x62: {  	v25 =	vadd.f32 v36, v25;
	v50 =	vor.u32 s25, v4;
	v51 =	vor.u32 s25, v5;
	v47 =	vld.idx.msk [tilespmem:v47+s16+$0x0], $0xffff  }
0x63: {  	v30 =	vmax.f32 v30, v44;
	v27 =	vor.u32 s25, v2;
	v54 =	vor.u32 s25, v0;
	v36 =	vld.idx.msk [tilespmem:v40+s15+$0x0], $0xffff  }
0x64: {  	v37 =	vmul.f32 v37, v32;
	v38 =	vadd.f32 v57, v38;
	v31 =	vmul.f32 $9.999999770e-03, v41;
	v28 =	vld.idx.msk [tilespmem:v58+s16+$0x0], $0xffff  }
0x65: {  	v44 =	vor.u32 s25, v3;
	v32 =	vmul.f32 v52, v32;
	v52 =	vmul.f32 v30, v7;
	v7 =	vmovc v49;
	v40 =	vld.idx.msk [tilespmem:v48+s16+$0x0], $0xffff  }
0x66: {  	v23 =	vadd.f32 v37, v23;
	v37 =	vmul.f32 v21, v11;
	v57 =	vmul.f32 $9.999999770e-03, v38;
	v49 =	vld.idx.msk [tilespmem:v61+s16+$0x0], $0xffff  }
0x67: {  	v33 =	vmul.f32 v33, v8;
	v14 =	vadd.f32 v12, v14;
	v21 =	vmax.f32 v41, v31;
	v41 =	vld.idx.msk [tilespmem:v59+s15+$0x0], $0xffff  }
0x68: {  	v24 =	vadd.f32 v24, v25;
	v22 =	vadd.f32 v32, v22;
	v57 =	vmax.f32 v38, v57;
	v30 =	vld.idx.msk [tilespmem:v58+s15+$0x0], $0xffff  }
0x69: {  	v15 =	vadd.f32 v15, v23;
	v31 =	vor.u32 s26, v5;
	v8 =	vmovc v60;
	v25 =	vadd.f32 v34, v62;
	v58 =	vld.idx.msk [tilespmem:v42+s16+$0x0], $0xffff  }
0x6a: {  	v23 =	vadd.f32 v45, v26;
	v14 =	vadd.f32 v56, v14;
	v12 =	vmul.f32 v21, v7;
	v60 =	vld.idx.msk [tilespmem:v61+s15+$0x0], $0xffff  }
0x6b: {  	v13 =	vadd.f32 v13, v15;
	v32 =	vmov s25;
	v21 =	vmul.f32 $9.999999770e-03, v25;
	v34 =	vld.idx.msk [tilespmem:v46+s11+$0x0], $0xffff  }
0x6c: {  	v11 =	vmul.f32 v20, v11;
	v15 =	vadd.f32 v53, v24;
	v14 =	vadd.f32 v17, v14;
	v38 =	vld.idx.msk [tilespmem:v55+s15+$0x0], $0xffff  }
0x6d: {  	v22 =	vadd.f32 v52, v22;
	v17 =	vadd.f32 v47, v43;
	v21 =	vmax.f32 v25, v21;
	v20 =	vld.idx.msk [tilespmem:v48+s15+$0x0], $0xffff  }
0x6e: {  	v23 =	vadd.f32 v33, v23;
	v35 =	vadd.f32 v35, v36;
	v24 =	vld.idx.msk [tilespmem:v55+s16+$0x0], $0xffff  }
0x6f: {  	v22 =	vadd.f32 v29, v22;
	v25 =	vadd.f32 v37, v15;
	v33 =	vmul.f32 $9.999999770e-03, v17;
	v43 =	vld.idx.msk [tilespmem:v59+s16+$0x0], $0xffff  }
0x70: {  	v26 =	vadd.f32 v11, v23;
	v23 =	vadd.f32 v39, v13;
	v37 =	vmul.f32 $9.999999770e-03, v35;
	v29 =	vld.idx.msk [tilespmem:v42+s15+$0x0], $0xffff  }
0x71: {  	v22 =	vadd.f32 v16, v22;
	v13 =	vmax.f32 v17, v33;
	v11 =	vmov v34;
	v42 =	vld.idx.msk [tilespmem:v50+s15+$0x0], $0xffff  }
0x72: {  	v15 =	vmul.f32 v13, v7;
	v13 =	vmax.f32 v35, v37;
	v36 =	vld.idx.msk [tilespmem:v51+s16+$0x0], $0xffff  }
0x73: {  	v13 =	vmul.f32 v13, v8;
	v17 =	vadd.f32 v40, v20;
	v16 =	vld.idx.msk [tilespmem:v50+s16+$0x0], $0xffff  }
0x74: {  	v35 =	vor.u32 s24, v3;
	v20 =	vadd.f32 v24, v38;
	v34 =	vld.idx.msk [tilespmem:v44+s16+$0x0], $0xffff  }
0x75: {  	v24 =	vmul.f32 $9.999999770e-03, v17;
	v43 =	vadd.f32 v43, v41;
	v38 =	vld.idx.msk [tilespmem:v54+s15+$0x0], $0xffff  }
.Ltmp0:
0x76: {  	v33 =	vmul.f32 $9.999999770e-03, v20;
	v29 =	vadd.f32 v58, v29;
	v40 =	vld.idx.msk [tilespmem:v51+s15+$0x0], $0xffff;
	(pc) =	sbr.rel @p0 .LBB2_3-.Ltmp0, $4  }
0x77: {  	v45 =	vmax.f32 v17, v24;
	v46 =	vmul.f32 $9.999999770e-03, v43;
	v41 =	vld.idx.msk [tilespmem:v54+s16+$0x0], $0xffff  }
0x78: {  	v17 =	vmul.f32 v57, v11;
	v20 =	vmax.f32 v20, v33;
	v39 =	vld.idx.msk [tilespmem:v44+s15+$0x0], $0xffff;
	v44 =	vmul.f32 $9.999999770e-03, v29  }
0x79: {  	v37 =	vadd.f32 v16, v42;
	v24 =	vmul.f32 v20, v7;
	v42 =	vadd.f32 v49, v60;
	v33 =	vld.idx.msk [tilespmem:v35+s15+$0x0], $0xffff  }
0x7a: {  	v16 =	vmul.f32 v45, v11;
	v20 =	vmax.f32 v43, v46;
	v29 =	vmax.f32 v29, v44;
	v35 =	vld.idx.msk [tilespmem:v35+s16+$0x0], $0xffff  }
0x7b: {  	_ =	sdelay $0x3  }
0x7c: {  	v43 =	vld.idx.msk [tilespmem:v27+s15+$0x0], $0xffff  }
0x7d: {  	v59 =	vld.idx.msk [tilespmem:v27+s16+$0x0], $0xffff;
	v29 =	vmul.f32 v29, v8  }
0x7e: {  	v28 =	vadd.f32 v28, v30;
	v60 =	vmul.f32 $9.999999770e-03, v42;
	v36 =	vadd.f32 v36, v40;
	v32 =	vld.idx.msk [tilespmem:v32+s11+$0x0], $0xffff  }
0x7f: {  	v61 =	vmul.f32 $9.999999770e-03, v37;
	v18 =	vadd.f32 v18, v19;
	v10 =	vld.idx.msk [tilespmem:v10+s15+$0x0], $0xffff;
	v62 =	vadd.f32 v41, v38  }
0x80: {  	v47 =	vld.idx.msk [tilespmem:v31+s15+$0x0], $0xffff;
	v30 =	vmax.f32 v42, v60;
	v63 =	vmul.f32 $9.999999770e-03, v36;
	v45 =	vmul.f32 $9.999999770e-03, v28  }
0x81: {  	v49 =	vld.idx.msk [tilespmem:v31+s16+$0x0], $0xffff;
	v34 =	vadd.f32 v34, v39;
	v48 =	vmul.f32 $9.999999770e-03, v18;
	v37 =	vmax.f32 v37, v61  }
0x82: {  	v46 =	vmul.f32 $9.999999770e-03, v62;
	v30 =	vmul.f32 v30, v8;
	v28 =	vmax.f32 v28, v45  }
0x83: {  	v50 =	vmul.f32 $9.999999770e-03, v34;
	v36 =	vmax.f32 v36, v63;
	v33 =	vadd.f32 v35, v33  }
0x84: {  	v52 =	vmax.f32 v18, v48;
	v27 =	vadd.f32 v59, v43;
	v28 =	vmul.f32 v28, v8  }
0x85: {  	v36 =	vmul.f32 v36, v32;
	v9 =	vadd.f32 v9, v10;
	v19 =	vmax.f32 v62, v46  }
0x86: {  	v31 =	vadd.f32 v49, v47;
	v55 =	vmul.f32 v37, v32;
	v53 =	vmul.f32 $9.999999770e-03, v33  }
0x87: {  	v34 =	vmax.f32 v34, v50;
	v51 =	vmul.f32 $9.999999770e-03, v27;
	v54 =	vmul.f32 $9.999999770e-03, v9  }
0x88: {  	v19 =	vmul.f32 v19, v32;
	v34 =	vmul.f32 v34, v32;
	v56 =	vadd.f32 v36, v25  }
0x89: {  	v23 =	vadd.f32 v55, v23;
	v27 =	vmax.f32 v27, v51;
	v9 =	vmax.f32 v9, v54  }
0x8a: {  	v19 =	vadd.f32 v19, v22;
	v27 =	vmul.f32 v27, v32;
	v9 =	vmul.f32 v9, v7  }
0x8b: {  	v26 =	vadd.f32 v34, v26;
	v59 =	vadd.f32 v24, v56;
	v7 =	vmul.f32 v52, v7  }
0x8c: {  	v18 =	vmax.f32 v33, v53;
	v14 =	vadd.f32 v27, v14;
	v9 =	vadd.f32 v9, v19  }
0x8d: {  	v15 =	vadd.f32 v15, v23;
	v8 =	vmul.f32 v18, v8;
	v7 =	vadd.f32 v7, v26  }
0x8e: {  	v61 =	vmul.f32 v20, v11;
	v57 =	vadd.f32 v12, v14;
	v9 =	vadd.f32 v29, v9  }
0x8f: {  	v60 =	vmul.f32 $9.999999770e-03, v31;
	v13 =	vadd.f32 v13, v15;
	v7 =	vadd.f32 v8, v7  }
0x90: {  	v58 =	vmul.f32 v21, v11;
	v10 =	vadd.f32 v28, v57;
	v8 =	vadd.f32 v16, v9  }
0x91: {  	v62 =	vmax.f32 v31, v60;
	v14 =	vadd.f32 v30, v59;
	v7 =	vadd.f32 v61, v7  }
0x92: {  	v9 =	vmul.f32 v62, v11;
	v10 =	vadd.f32 v17, v10;
	v8 =	vadd.f32 v8, v6  }
0x93: {  	v63 =	vadd.f32 v58, v13;
	v7 =	vadd.f32 v7, v6  }
0x94: {  	v9 =	vadd.f32 v9, v14;
	v10 =	vadd.f32 v10, v6;
	[tilespmem:$0x5200] =	vst v8  }
0x95: {  	v8 =	vadd.f32 v63, v6;
	[tilespmem:$0x5220] =	vst v7  }
0x96: {  	s21 =	sadd.s32 $0x1, s21;
	v7 =	vadd.f32 v9, v6;
	[tilespmem:$0x5210] =	vst v10  }
0x97: {  	p0 =	sne.s32 s21, $0xFA;
	[tilespmem:$0x5230] =	vst v8  }
.Ltmp1:
0x98: {  	s22 =	sadd.s32 s1, s22;
	[tilespmem:$0x5240] =	vst v7;
	(pc) =	sbr.rel @p0 .LBB2_2-.Ltmp1, $4  }
0x99: {  	[hbm4b:s22+s2] =	stream.linear.scatter [tilespmem:s19], [sflag:$0x3], $0x50, $0x38;
	[tilespmem:$0x5280] =	vst v63  }
0x9a: {  	_ =	swait.ge [sflag:s12], $0x50  }
0x9b: {  	[sflag:s12] =	ssyncset.done $0x0  }
0x9c: {  	[sflag:s12] =	ssyncadd.s32 $0xFFFFFFB0  }
0x9d: {  	s20 =	sadd.s32 $0x1, s20  }
0x9e: {  	p0 =	sne.s32 s20, s10  }
.Ltmp2:
0x9f: {  	_ = 	snop;
	(pc) =	sbr.rel @p0 .LBB2_1-.Ltmp2, $1  }
0xa0: {  	_ =	sdelay $0x3  }
0xa1: {  	_ =	sfence.sel $0x180000  }
0xa2: {  	[bflag:$0x0] =	sbarrier.arrive $0xFFFF  }
0xa3: {  	p0 =	sne.s32 s3, $0x0;
	_ =	strace $0x90000047  }
0xa4: {  	s0 =	sadd.s32 @!p0 $0x100000, s0;
	[bflag:$0x2] =	sbarrier.arrive $0xFFFF  }
0xa5: {  	[sflag:s0] =	ssyncadd.tile.s32 @!p0 $0x1;
	_ =	shalt  }
.Lfunc_end2:
_tile_overlayer_lowered:
.L_overlay_start_2:
0xa6: {  	(tag) =	ssettag $0x2  }
0xa7: {  	s0 =	rddreg [dreg:$0x0];
	s2 =	stileid.u32  }
0xa8: {  	s1 =	rddreg [dreg:$0x1];
	p0 =	sne.s32 s2, $0x0  }
0xa9: {  	s3 =	rddreg [dreg:$0x2];
	[bflag:$0x3] =	sbarrier.arrive $0xFFFF;
	s2 =	simm.s32 @!p0 $0x1C03  }
0xaa: {  	[timem:s3], [sflag:s2] =	dma.local @!p0 [hbm:s0], s1  }
0xab: {  	s0 =	simm.s32 @!p0 $0x3  }
0xac: {  	_ =	swait.ge @!p0 [sflag:s0], s1  }
0xad: {  	s1 =	ssub.s32 @!p0 $0x0, s1;
	[sflag:s0] =	ssyncset.done @!p0 $0x0  }
0xae: {  	[sflag:s0] =	ssyncadd.s32 @!p0 s1  }
0xaf: {  	[bflag:$0x3] =	sbarrier.arrive $0xFFFF  }
0xb0: {  	_ =	shalt  }

</sc_bundles>
